<compile_context>
chip_gen: v7x
topology: tpu7x:2x2x1
jax: 0.10.2.dev20260603
libtpu: 0.0.44.dev20260713+nightly
codegen_flags: <defaults>
</compile_context>

<pallas_src>
import jax
import jax.numpy as jnp
from jax import lax
from jax.experimental import pallas as pl
from jax.experimental.pallas import tpu as pltpu
from jax.experimental.pallas import tpu_sc as plsc

_NC = 2
_NS = 16
_NW = _NC * _NS
_L = 16

_B = 4096
_HIST = 20
_UID_DIM = 64
_MID_DIM = 64
_CAT_DIM = 16
_BPW = _B // _NW
_INFLIGHT = 128


def _sc_body_cat(cidx_hbm, ct_hbm, cout, cidx_v, crows, csum, sem):
  wid = lax.axis_index("s") * _NC + lax.axis_index("c")
  base = wid * _BPW
  pltpu.sync_copy(cidx_hbm.at[:, pl.ds(base, _BPW)], cidx_v)
  ccs = [pltpu.async_copy(ct_hbm.at[cidx_v.at[j]], crows.at[j], sem)
         for j in range(_HIST)]
  for cc in ccs:
    cc.wait()

  def body(i, carry):
    acc = crows[0, i, :]
    for j in range(1, _HIST):
      acc = acc + crows[j, i, :]
    csum[i, :] = acc
    return carry

  lax.fori_loop(0, _BPW, body, 0, unroll=False)
  pltpu.sync_copy(csum, cout.at[pl.ds(base, _BPW)])


def _sc_gather_cat(cat_idx_t, cat_table):
  mesh = plsc.VectorSubcoreMesh(core_axis_name="c", subcore_axis_name="s")
  fn = pl.kernel(
      _sc_body_cat,
      out_type=jax.ShapeDtypeStruct((_B, _CAT_DIM), jnp.float32),
      mesh=mesh,
      compiler_params=pltpu.CompilerParams(use_tc_tiling_on_sc=False),
      scratch_types=[
          pltpu.VMEM((_HIST, _BPW), jnp.int32),
          pltpu.VMEM((_HIST, _BPW, _CAT_DIM), jnp.float32),
          pltpu.VMEM((_BPW, _CAT_DIM), jnp.float32),
          pltpu.SemaphoreType.DMA,
      ],
  )
  return fn(cat_idx_t, cat_table)


def _tc_body(uidx_sm, midx_sm, ut_hbm, mt_hbm, cs,
             wu, bu, w1m, w1c, b1, w2, b2, out,
             urows, mrows, usem, msem):
  def wait_one():
    pltpu.make_async_copy(
        ut_hbm.at[pl.ds(0, 1)], urows.at[pl.ds(0, 1)], usem).wait()
    pltpu.make_async_copy(
        mt_hbm.at[pl.ds(0, 1)], mrows.at[pl.ds(0, 1)], msem).wait()

  def issue(i, carry):
    pltpu.make_async_copy(
        ut_hbm.at[pl.ds(uidx_sm[i], 1)], urows.at[pl.ds(i, 1)], usem).start()
    pltpu.make_async_copy(
        mt_hbm.at[pl.ds(midx_sm[i], 1)], mrows.at[pl.ds(i, 1)], msem).start()

    @pl.when(i >= _INFLIGHT)
    def _():
      wait_one()

    return carry

  lax.fori_loop(0, _B, issue, 0, unroll=False)

  def drain(i, carry):
    wait_one()
    return carry

  lax.fori_loop(0, _INFLIGHT, drain, 0, unroll=False)

  uemb = urows[...]
  memb = mrows[...]
  uy = jnp.dot(uemb, wu[...], preferred_element_type=jnp.float32)
  uy = jnp.maximum(uy + bu[...], 0.0)
  my = (jnp.dot(memb, w1m[...], preferred_element_type=jnp.float32)
        + jnp.dot(cs[...], w1c[...], preferred_element_type=jnp.float32))
  my = jnp.maximum(my + b1[...], 0.0)
  my = jnp.dot(my, w2[...], preferred_element_type=jnp.float32)
  my = jnp.maximum(my + b2[...], 0.0)
  num = jnp.sum(uy * my, axis=1, keepdims=True)
  un = jnp.sum(uy * uy, axis=1, keepdims=True)
  mn = jnp.sum(my * my, axis=1, keepdims=True)
  out[...] = num / jnp.sqrt(un * mn)


def _tc_gather_mlp(uidx, midx, ut, mt, cat_sum,
                   Wu, bu, Wm1m, Wm1c, bm1, Wm2, bm2):
  vmem = pl.BlockSpec(memory_space=pltpu.MemorySpace.VMEM)
  return pl.pallas_call(
      _tc_body,
      out_shape=jax.ShapeDtypeStruct((_B, 1), jnp.float32),
      in_specs=[
          pl.BlockSpec(memory_space=pltpu.MemorySpace.SMEM),
          pl.BlockSpec(memory_space=pltpu.MemorySpace.SMEM),
          pl.BlockSpec(memory_space=pl.ANY),
          pl.BlockSpec(memory_space=pl.ANY),
          vmem, vmem, vmem, vmem, vmem, vmem, vmem, vmem,
      ],
      out_specs=vmem,
      scratch_shapes=[
          pltpu.VMEM((_B, _UID_DIM), jnp.float32),
          pltpu.VMEM((_B, _MID_DIM), jnp.float32),
          pltpu.SemaphoreType.DMA,
          pltpu.SemaphoreType.DMA,
      ],
  )(uidx, midx, ut, mt, cat_sum,
    Wu, bu, Wm1m, Wm1c, bm1, Wm2, bm2)


def kernel(user_idx, movie_idx, category_idx_lst, user_table, movie_table,
           cat_table, Wu, bu, Wm1, bm1, Wm2, bm2):
  user_idx = user_idx.astype(jnp.int32)
  movie_idx = movie_idx.astype(jnp.int32)
  cat_idx_t = category_idx_lst.astype(jnp.int32).T
  cat_sum = _sc_gather_cat(cat_idx_t, cat_table)
  out = _tc_gather_mlp(user_idx, movie_idx, user_table, movie_table, cat_sum,
                       Wu, bu.reshape(1, -1),
                       Wm1[:_MID_DIM], Wm1[_MID_DIM:], bm1.reshape(1, -1),
                       Wm2, bm2.reshape(1, -1))
  return out.reshape(_B)

# --- scband reference (transcript-rebuilt; emitter-appended) ---
"""Pipeline reference for scband-two-tower-89507118449226 (READ-ONLY COPY).

The authoritative reference and input builder live on the scoring server;
editing this copy changes nothing except your own understanding.
"""

import jax, jax.numpy as jnp
import numpy as np

NUM_USER = 1000000
NUM_MOVIE = 100000
NUM_CATEGORY = 1000
UID_DIM = 64
MID_DIM = 64
CAT_DIM = 16
USER_L = 32
MOVIE_L1 = 64
MOVIE_L2 = 32
BATCH = 4096
HIST = 20


def setup_inputs(seed: int = 0) -> dict:
    key = jax.random.key(seed)
    ks = jax.random.split(key, 12)
    user_idx = jax.random.randint(ks[0], (BATCH,), 0, NUM_USER + 1, dtype=jnp.int64 if jax.config.jax_enable_x64 else jnp.int32)
    movie_idx = jax.random.randint(ks[1], (BATCH,), 0, NUM_MOVIE + 1, dtype=jnp.int32)
    category_idx_lst = jax.random.randint(ks[2], (BATCH, HIST), 0, NUM_CATEGORY + 2, dtype=jnp.int32)
    def xavier(k, shape):
        fan_in, fan_out = shape[0], shape[1]
        lim = jnp.sqrt(6.0 / (fan_in + fan_out))
        return jax.random.uniform(k, shape, jnp.float32, -lim, lim)
    user_table = xavier(ks[3], (NUM_USER + 1, UID_DIM))
    movie_table = xavier(ks[4], (NUM_MOVIE + 1, MID_DIM))
    cat_table = xavier(ks[5], (NUM_CATEGORY + 2, CAT_DIM))
    Wu = xavier(ks[6], (UID_DIM, USER_L))
    bu = jnp.zeros((USER_L,), jnp.float32)
    Wm1 = xavier(ks[7], (MID_DIM + CAT_DIM, MOVIE_L1))
    bm1 = jnp.zeros((MOVIE_L1,), jnp.float32)
    Wm2 = xavier(ks[8], (MOVIE_L1, MOVIE_L2))
    bm2 = jnp.zeros((MOVIE_L2,), jnp.float32)
    return {"user_idx": user_idx, "movie_idx": movie_idx, "category_idx_lst": category_idx_lst,
            "user_table": user_table, "movie_table": movie_table, "cat_table": cat_table,
            "Wu": Wu, "bu": bu, "Wm1": Wm1, "bm1": bm1, "Wm2": Wm2, "bm2": bm2}


def reference(user_idx, movie_idx, category_idx_lst, user_table, movie_table, cat_table, Wu, bu, Wm1, bm1, Wm2, bm2):
    # embedding lookups
    user_feat_emb = jnp.take(user_table, user_idx, axis=0)
    movie_feat_emb = jnp.take(movie_table, movie_idx, axis=0)
    # ragged category sum: valid entries are those before the first -1 in each row
    valid = jnp.cumprod((category_idx_lst != -1).astype(jnp.float32), axis=1)
    safe_idx = jnp.clip(category_idx_lst, 0, cat_table.shape[0] - 1)
    cat_emb = jnp.take(cat_table, safe_idx, axis=0)  # [B, L, CAT_DIM]
    summed_category_emb = jnp.sum(cat_emb * valid[:, :, None], axis=1)  # [B, CAT_DIM]
    concat_movie_category_emb = jnp.concatenate([movie_feat_emb, summed_category_emb], axis=1)
    # user tower
    user_y = jax.nn.relu(user_feat_emb @ Wu + bu)
    # movie tower
    movie_y = jax.nn.relu(concat_movie_category_emb @ Wm1 + bm1)
    movie_y = jax.nn.relu(movie_y @ Wm2 + bm2)
    # cosine similarity
    sum_um = jnp.sum(user_y * movie_y, axis=1)
    user_norm = jnp.sqrt(jnp.sum(user_y * user_y, axis=1))
    movie_norm = jnp.sqrt(jnp.sum(movie_y * movie_y, axis=1))
    return sum_um / (user_norm * movie_norm)

if __name__ == "__main__":
    import jax
    _d = setup_inputs()
    print(jax.jit(kernel)(*tuple(_d.values())))

</pallas_src>

<mosaic_0001>
#map = affine_map<(d0, d1) -> (0, 0)>
module attributes {stable_mosaic.version = 14 : i64} {
  func.func @_sc_body_cat(%arg0: i32, %arg1: i32, %arg2: memref<20x4096xi32, #tpu.memory_space<hbm>>, %arg3: memref<1002x16xf32, #tpu.memory_space<hbm>>, %arg4: memref<4096x16xf32, #tpu.memory_space<hbm>>, %arg5: memref<20x128xi32, #tpu.memory_space<vmem>>, %arg6: memref<20x128x16xf32, #tpu.memory_space<vmem>>, %arg7: memref<128x16xf32, #tpu.memory_space<vmem>>, %arg8: memref<!tpu.dma_semaphore, #tpu.memory_space<semaphore_mem>>) attributes {dimension_semantics = [#tpu.dimension_semantics<core_parallel>, #tpu.dimension_semantics<subcore_parallel>], iteration_bounds = array<i64: 2, 16>, scalar_prefetch = 0 : i64, scratch_operands = 4 : i64, tpu.core_type = #tpu.core_type<sc_vector_subcore>, window_params = [{transform_indices = #map}, {transform_indices = #map}, {transform_indices = #map}]} {
    %mul3A = arith.constant 2 : i32
    %mul3A_0 = arith.muli %arg1, %mul3A : i32
    %add3A = arith.addi %mul3A_0, %arg0 : i32
    %mul3A_1 = arith.constant 128 : i32
    %mul3A_2 = arith.muli %add3A, %mul3A_1 : i32
    "tpu.region"() ({
      %run_scoped3A = tpu.sem_alloc : memref<!tpu.dma_semaphore, #tpu.memory_space<semaphore_mem>>
      %dma_start3A_486 = arith.constant 0 : i32
      %dma_start3A_487 = tpu.memref_slice %arg2[%dma_start3A_486, %mul3A_2] : memref<20x4096xi32, #tpu.memory_space<hbm>> -> memref<20x128xi32, #tpu.memory_space<hbm>>
      %dma_start3A_488 = arith.constant 0 : i32
      %dma_start3A_489 = tpu.memref_slice %arg2[%dma_start3A_488, %mul3A_2] : memref<20x4096xi32, #tpu.memory_space<hbm>> -> memref<20x128xi32, #tpu.memory_space<hbm>>
      tpu.enqueue_dma source(%dma_start3A_489 : memref<20x128xi32, #tpu.memory_space<hbm>>) target(%arg5 : memref<20x128xi32, #tpu.memory_space<vmem>>) target_semaphore(%run_scoped3A : memref<!tpu.dma_semaphore, #tpu.memory_space<semaphore_mem>>)
      %dma_wait3A_490 = arith.constant 0 : i32
      %dma_wait3A_491 = tpu.memref_slice %arg2[%dma_wait3A_490, %mul3A_2] : memref<20x4096xi32, #tpu.memory_space<hbm>> -> memref<20x128xi32, #tpu.memory_space<hbm>>
      %dma_wait3A_492 = arith.constant 0 : i32
      %dma_wait3A_493 = tpu.memref_slice %arg2[%dma_wait3A_492, %mul3A_2] : memref<20x4096xi32, #tpu.memory_space<hbm>> -> memref<20x128xi32, #tpu.memory_space<hbm>>
      tpu.wait_dma2 semaphore(%run_scoped3A : memref<!tpu.dma_semaphore, #tpu.memory_space<semaphore_mem>>) src(%dma_wait3A_493 : memref<20x128xi32, #tpu.memory_space<hbm>>) dst(%arg5 : memref<20x128xi32, #tpu.memory_space<vmem>>)
      tpu.yield
    }) : () -> ()
    %dma_start3A = arith.constant 0 : i32
    %dma_start3A_3 = arith.constant 0 : i32
    %dma_start3A_4 = arith.constant 0 : i32
    %dma_start3A_5 = arith.constant 0 : i32
    %dma_start3A_6 = tpu.memref_slice %arg6[%dma_start3A_3, %dma_start3A_4, %dma_start3A_5] : memref<20x128x16xf32, #tpu.memory_space<vmem>> -> memref<1x128x16xf32, #tpu.memory_space<vmem>>
    %dma_start3A_7 = tpu.memref_squeeze %dma_start3A_6 : memref<1x128x16xf32, #tpu.memory_space<vmem>> -> memref<128x16xf32, #tpu.memory_space<vmem>>
    %dma_start3A_8 = arith.constant 0 : i32
    %dma_start3A_9 = tpu.memref_slice %arg5[%dma_start3A, %dma_start3A_8] : memref<20x128xi32, #tpu.memory_space<vmem>> -> memref<1x128xi32, #tpu.memory_space<vmem>>
    %dma_start3A_10 = tpu.memref_squeeze %dma_start3A_9 : memref<1x128xi32, #tpu.memory_space<vmem>> -> memref<128xi32, #tpu.memory_space<vmem>>
    %dma_start3A_11 = arith.constant 0 : i32
    %dma_start3A_12 = arith.constant 0 : i32
    %dma_start3A_13 = tpu.memref_slice %arg3[%dma_start3A_11, %dma_start3A_12] : memref<1002x16xf32, #tpu.memory_space<hbm>> -> memref<1002x16xf32, #tpu.memory_space<hbm>>
    tpu.enqueue_indirect_dma source(%dma_start3A_13 : memref<1002x16xf32, #tpu.memory_space<hbm>>) target(%dma_start3A_7 : memref<128x16xf32, #tpu.memory_space<vmem>>) offsets(%dma_start3A_10 : memref<128xi32, #tpu.memory_space<vmem>>) semaphore(%arg8 : memref<!tpu.dma_semaphore, #tpu.memory_space<semaphore_mem>>)
    %dma_start3A_14 = arith.constant 1 : i32
    %dma_start3A_15 = arith.constant 1 : i32
    %dma_start3A_16 = arith.constant 0 : i32
    %dma_start3A_17 = arith.constant 0 : i32
    %dma_start3A_18 = tpu.memref_slice %arg6[%dma_start3A_15, %dma_start3A_16, %dma_start3A_17] : memref<20x128x16xf32, #tpu.memory_space<vmem>> -> memref<1x128x16xf32, #tpu.memory_space<vmem>>
    %dma_start3A_19 = tpu.memref_squeeze %dma_start3A_18 : memref<1x128x16xf32, #tpu.memory_space<vmem>> -> memref<128x16xf32, #tpu.memory_space<vmem>>
    %dma_start3A_20 = arith.constant 0 : i32
    %dma_start3A_21 = tpu.memref_slice %arg5[%dma_start3A_14, %dma_start3A_20] : memref<20x128xi32, #tpu.memory_space<vmem>> -> memref<1x128xi32, #tpu.memory_space<vmem>>
    %dma_start3A_22 = tpu.memref_squeeze %dma_start3A_21 : memref<1x128xi32, #tpu.memory_space<vmem>> -> memref<128xi32, #tpu.memory_space<vmem>>
    %dma_start3A_23 = arith.constant 0 : i32
    %dma_start3A_24 = arith.constant 0 : i32
    %dma_start3A_25 = tpu.memref_slice %arg3[%dma_start3A_23, %dma_start3A_24] : memref<1002x16xf32, #tpu.memory_space<hbm>> -> memref<1002x16xf32, #tpu.memory_space<hbm>>
    tpu.enqueue_indirect_dma source(%dma_start3A_25 : memref<1002x16xf32, #tpu.memory_space<hbm>>) target(%dma_start3A_19 : memref<128x16xf32, #tpu.memory_space<vmem>>) offsets(%dma_start3A_22 : memref<128xi32, #tpu.memory_space<vmem>>) semaphore(%arg8 : memref<!tpu.dma_semaphore, #tpu.memory_space<semaphore_mem>>)
    %dma_start3A_26 = arith.constant 2 : i32
    %dma_start3A_27 = arith.constant 2 : i32
    %dma_start3A_28 = arith.constant 0 : i32
    %dma_start3A_29 = arith.constant 0 : i32
    %dma_start3A_30 = tpu.memref_slice %arg6[%dma_start3A_27, %dma_start3A_28, %dma_start3A_29] : memref<20x128x16xf32, #tpu.memory_space<vmem>> -> memref<1x128x16xf32, #tpu.memory_space<vmem>>
    %dma_start3A_31 = tpu.memref_squeeze %dma_start3A_30 : memref<1x128x16xf32, #tpu.memory_space<vmem>> -> memref<128x16xf32, #tpu.memory_space<vmem>>
    %dma_start3A_32 = arith.constant 0 : i32
    %dma_start3A_33 = tpu.memref_slice %arg5[%dma_start3A_26, %dma_start3A_32] : memref<20x128xi32, #tpu.memory_space<vmem>> -> memref<1x128xi32, #tpu.memory_space<vmem>>
    %dma_start3A_34 = tpu.memref_squeeze %dma_start3A_33 : memref<1x128xi32, #tpu.memory_space<vmem>> -> memref<128xi32, #tpu.memory_space<vmem>>
    %dma_start3A_35 = arith.constant 0 : i32
    %dma_start3A_36 = arith.constant 0 : i32
    %dma_start3A_37 = tpu.memref_slice %arg3[%dma_start3A_35, %dma_start3A_36] : memref<1002x16xf32, #tpu.memory_space<hbm>> -> memref<1002x16xf32, #tpu.memory_space<hbm>>
    tpu.enqueue_indirect_dma source(%dma_start3A_37 : memref<1002x16xf32, #tpu.memory_space<hbm>>) target(%dma_start3A_31 : memref<128x16xf32, #tpu.memory_space<vmem>>) offsets(%dma_start3A_34 : memref<128xi32, #tpu.memory_space<vmem>>) semaphore(%arg8 : memref<!tpu.dma_semaphore, #tpu.memory_space<semaphore_mem>>)
    %dma_start3A_38 = arith.constant 3 : i32
    %dma_start3A_39 = arith.constant 3 : i32
    %dma_start3A_40 = arith.constant 0 : i32
    %dma_start3A_41 = arith.constant 0 : i32
    %dma_start3A_42 = tpu.memref_slice %arg6[%dma_start3A_39, %dma_start3A_40, %dma_start3A_41] : memref<20x128x16xf32, #tpu.memory_space<vmem>> -> memref<1x128x16xf32, #tpu.memory_space<vmem>>
    %dma_start3A_43 = tpu.memref_squeeze %dma_start3A_42 : memref<1x128x16xf32, #tpu.memory_space<vmem>> -> memref<128x16xf32, #tpu.memory_space<vmem>>
    %dma_start3A_44 = arith.constant 0 : i32
    %dma_start3A_45 = tpu.memref_slice %arg5[%dma_start3A_38, %dma_start3A_44] : memref<20x128xi32, #tpu.memory_space<vmem>> -> memref<1x128xi32, #tpu.memory_space<vmem>>
    %dma_start3A_46 = tpu.memref_squeeze %dma_start3A_45 : memref<1x128xi32, #tpu.memory_space<vmem>> -> memref<128xi32, #tpu.memory_space<vmem>>
    %dma_start3A_47 = arith.constant 0 : i32
    %dma_start3A_48 = arith.constant 0 : i32
    %dma_start3A_49 = tpu.memref_slice %arg3[%dma_start3A_47, %dma_start3A_48] : memref<1002x16xf32, #tpu.memory_space<hbm>> -> memref<1002x16xf32, #tpu.memory_space<hbm>>
    tpu.enqueue_indirect_dma source(%dma_start3A_49 : memref<1002x16xf32, #tpu.memory_space<hbm>>) target(%dma_start3A_43 : memref<128x16xf32, #tpu.memory_space<vmem>>) offsets(%dma_start3A_46 : memref<128xi32, #tpu.memory_space<vmem>>) semaphore(%arg8 : memref<!tpu.dma_semaphore, #tpu.memory_space<semaphore_mem>>)
    %dma_start3A_50 = arith.constant 4 : i32
    %dma_start3A_51 = arith.constant 4 : i32
    %dma_start3A_52 = arith.constant 0 : i32
    %dma_start3A_53 = arith.constant 0 : i32
    %dma_start3A_54 = tpu.memref_slice %arg6[%dma_start3A_51, %dma_start3A_52, %dma_start3A_53] : memref<20x128x16xf32, #tpu.memory_space<vmem>> -> memref<1x128x16xf32, #tpu.memory_space<vmem>>
    %dma_start3A_55 = tpu.memref_squeeze %dma_start3A_54 : memref<1x128x16xf32, #tpu.memory_space<vmem>> -> memref<128x16xf32, #tpu.memory_space<vmem>>
    %dma_start3A_56 = arith.constant 0 : i32
    %dma_start3A_57 = tpu.memref_slice %arg5[%dma_start3A_50, %dma_start3A_56] : memref<20x128xi32, #tpu.memory_space<vmem>> -> memref<1x128xi32, #tpu.memory_space<vmem>>
    %dma_start3A_58 = tpu.memref_squeeze %dma_start3A_57 : memref<1x128xi32, #tpu.memory_space<vmem>> -> memref<128xi32, #tpu.memory_space<vmem>>
    %dma_start3A_59 = arith.constant 0 : i32
    %dma_start3A_60 = arith.constant 0 : i32
    %dma_start3A_61 = tpu.memref_slice %arg3[%dma_start3A_59, %dma_start3A_60] : memref<1002x16xf32, #tpu.memory_space<hbm>> -> memref<1002x16xf32, #tpu.memory_space<hbm>>
    tpu.enqueue_indirect_dma source(%dma_start3A_61 : memref<1002x16xf32, #tpu.memory_space<hbm>>) target(%dma_start3A_55 : memref<128x16xf32, #tpu.memory_space<vmem>>) offsets(%dma_start3A_58 : memref<128xi32, #tpu.memory_space<vmem>>) semaphore(%arg8 : memref<!tpu.dma_semaphore, #tpu.memory_space<semaphore_mem>>)
    %dma_start3A_62 = arith.constant 5 : i32
    %dma_start3A_63 = arith.constant 5 : i32
    %dma_start3A_64 = arith.constant 0 : i32
    %dma_start3A_65 = arith.constant 0 : i32
    %dma_start3A_66 = tpu.memref_slice %arg6[%dma_start3A_63, %dma_start3A_64, %dma_start3A_65] : memref<20x128x16xf32, #tpu.memory_space<vmem>> -> memref<1x128x16xf32, #tpu.memory_space<vmem>>
    %dma_start3A_67 = tpu.memref_squeeze %dma_start3A_66 : memref<1x128x16xf32, #tpu.memory_space<vmem>> -> memref<128x16xf32, #tpu.memory_space<vmem>>
    %dma_start3A_68 = arith.constant 0 : i32
    %dma_start3A_69 = tpu.memref_slice %arg5[%dma_start3A_62, %dma_start3A_68] : memref<20x128xi32, #tpu.memory_space<vmem>> -> memref<1x128xi32, #tpu.memory_space<vmem>>
    %dma_start3A_70 = tpu.memref_squeeze %dma_start3A_69 : memref<1x128xi32, #tpu.memory_space<vmem>> -> memref<128xi32, #tpu.memory_space<vmem>>
    %dma_start3A_71 = arith.constant 0 : i32
    %dma_start3A_72 = arith.constant 0 : i32
    %dma_start3A_73 = tpu.memref_slice %arg3[%dma_start3A_71, %dma_start3A_72] : memref<1002x16xf32, #tpu.memory_space<hbm>> -> memref<1002x16xf32, #tpu.memory_space<hbm>>
    tpu.enqueue_indirect_dma source(%dma_start3A_73 : memref<1002x16xf32, #tpu.memory_space<hbm>>) target(%dma_start3A_67 : memref<128x16xf32, #tpu.memory_space<vmem>>) offsets(%dma_start3A_70 : memref<128xi32, #tpu.memory_space<vmem>>) semaphore(%arg8 : memref<!tpu.dma_semaphore, #tpu.memory_space<semaphore_mem>>)
    %dma_start3A_74 = arith.constant 6 : i32
    %dma_start3A_75 = arith.constant 6 : i32
    %dma_start3A_76 = arith.constant 0 : i32
    %dma_start3A_77 = arith.constant 0 : i32
    %dma_start3A_78 = tpu.memref_slice %arg6[%dma_start3A_75, %dma_start3A_76, %dma_start3A_77] : memref<20x128x16xf32, #tpu.memory_space<vmem>> -> memref<1x128x16xf32, #tpu.memory_space<vmem>>
    %dma_start3A_79 = tpu.memref_squeeze %dma_start3A_78 : memref<1x128x16xf32, #tpu.memory_space<vmem>> -> memref<128x16xf32, #tpu.memory_space<vmem>>
    %dma_start3A_80 = arith.constant 0 : i32
    %dma_start3A_81 = tpu.memref_slice %arg5[%dma_start3A_74, %dma_start3A_80] : memref<20x128xi32, #tpu.memory_space<vmem>> -> memref<1x128xi32, #tpu.memory_space<vmem>>
    %dma_start3A_82 = tpu.memref_squeeze %dma_start3A_81 : memref<1x128xi32, #tpu.memory_space<vmem>> -> memref<128xi32, #tpu.memory_space<vmem>>
    %dma_start3A_83 = arith.constant 0 : i32
    %dma_start3A_84 = arith.constant 0 : i32
    %dma_start3A_85 = tpu.memref_slice %arg3[%dma_start3A_83, %dma_start3A_84] : memref<1002x16xf32, #tpu.memory_space<hbm>> -> memref<1002x16xf32, #tpu.memory_space<hbm>>
    tpu.enqueue_indirect_dma source(%dma_start3A_85 : memref<1002x16xf32, #tpu.memory_space<hbm>>) target(%dma_start3A_79 : memref<128x16xf32, #tpu.memory_space<vmem>>) offsets(%dma_start3A_82 : memref<128xi32, #tpu.memory_space<vmem>>) semaphore(%arg8 : memref<!tpu.dma_semaphore, #tpu.memory_space<semaphore_mem>>)
    %dma_start3A_86 = arith.constant 7 : i32
    %dma_start3A_87 = arith.constant 7 : i32
    %dma_start3A_88 = arith.constant 0 : i32
    %dma_start3A_89 = arith.constant 0 : i32
    %dma_start3A_90 = tpu.memref_slice %arg6[%dma_start3A_87, %dma_start3A_88, %dma_start3A_89] : memref<20x128x16xf32, #tpu.memory_space<vmem>> -> memref<1x128x16xf32, #tpu.memory_space<vmem>>
    %dma_start3A_91 = tpu.memref_squeeze %dma_start3A_90 : memref<1x128x16xf32, #tpu.memory_space<vmem>> -> memref<128x16xf32, #tpu.memory_space<vmem>>
    %dma_start3A_92 = arith.constant 0 : i32
    %dma_start3A_93 = tpu.memref_slice %arg5[%dma_start3A_86, %dma_start3A_92] : memref<20x128xi32, #tpu.memory_space<vmem>> -> memref<1x128xi32, #tpu.memory_space<vmem>>
    %dma_start3A_94 = tpu.memref_squeeze %dma_start3A_93 : memref<1x128xi32, #tpu.memory_space<vmem>> -> memref<128xi32, #tpu.memory_space<vmem>>
    %dma_start3A_95 = arith.constant 0 : i32
    %dma_start3A_96 = arith.constant 0 : i32
    %dma_start3A_97 = tpu.memref_slice %arg3[%dma_start3A_95, %dma_start3A_96] : memref<1002x16xf32, #tpu.memory_space<hbm>> -> memref<1002x16xf32, #tpu.memory_space<hbm>>
    tpu.enqueue_indirect_dma source(%dma_start3A_97 : memref<1002x16xf32, #tpu.memory_space<hbm>>) target(%dma_start3A_91 : memref<128x16xf32, #tpu.memory_space<vmem>>) offsets(%dma_start3A_94 : memref<128xi32, #tpu.memory_space<vmem>>) semaphore(%arg8 : memref<!tpu.dma_semaphore, #tpu.memory_space<semaphore_mem>>)
    %dma_start3A_98 = arith.constant 8 : i32
    %dma_start3A_99 = arith.constant 8 : i32
    %dma_start3A_100 = arith.constant 0 : i32
    %dma_start3A_101 = arith.constant 0 : i32
    %dma_start3A_102 = tpu.memref_slice %arg6[%dma_start3A_99, %dma_start3A_100, %dma_start3A_101] : memref<20x128x16xf32, #tpu.memory_space<vmem>> -> memref<1x128x16xf32, #tpu.memory_space<vmem>>
    %dma_start3A_103 = tpu.memref_squeeze %dma_start3A_102 : memref<1x128x16xf32, #tpu.memory_space<vmem>> -> memref<128x16xf32, #tpu.memory_space<vmem>>
    %dma_start3A_104 = arith.constant 0 : i32
    %dma_start3A_105 = tpu.memref_slice %arg5[%dma_start3A_98, %dma_start3A_104] : memref<20x128xi32, #tpu.memory_space<vmem>> -> memref<1x128xi32, #tpu.memory_space<vmem>>
    %dma_start3A_106 = tpu.memref_squeeze %dma_start3A_105 : memref<1x128xi32, #tpu.memory_space<vmem>> -> memref<128xi32, #tpu.memory_space<vmem>>
    %dma_start3A_107 = arith.constant 0 : i32
    %dma_start3A_108 = arith.constant 0 : i32
    %dma_start3A_109 = tpu.memref_slice %arg3[%dma_start3A_107, %dma_start3A_108] : memref<1002x16xf32, #tpu.memory_space<hbm>> -> memref<1002x16xf32, #tpu.memory_space<hbm>>
    tpu.enqueue_indirect_dma source(%dma_start3A_109 : memref<1002x16xf32, #tpu.memory_space<hbm>>) target(%dma_start3A_103 : memref<128x16xf32, #tpu.memory_space<vmem>>) offsets(%dma_start3A_106 : memref<128xi32, #tpu.memory_space<vmem>>) semaphore(%arg8 : memref<!tpu.dma_semaphore, #tpu.memory_space<semaphore_mem>>)
    %dma_start3A_110 = arith.constant 9 : i32
    %dma_start3A_111 = arith.constant 9 : i32
    %dma_start3A_112 = arith.constant 0 : i32
    %dma_start3A_113 = arith.constant 0 : i32
    %dma_start3A_114 = tpu.memref_slice %arg6[%dma_start3A_111, %dma_start3A_112, %dma_start3A_113] : memref<20x128x16xf32, #tpu.memory_space<vmem>> -> memref<1x128x16xf32, #tpu.memory_space<vmem>>
    %dma_start3A_115 = tpu.memref_squeeze %dma_start3A_114 : memref<1x128x16xf32, #tpu.memory_space<vmem>> -> memref<128x16xf32, #tpu.memory_space<vmem>>
    %dma_start3A_116 = arith.constant 0 : i32
    %dma_start3A_117 = tpu.memref_slice %arg5[%dma_start3A_110, %dma_start3A_116] : memref<20x128xi32, #tpu.memory_space<vmem>> -> memref<1x128xi32, #tpu.memory_space<vmem>>
    %dma_start3A_118 = tpu.memref_squeeze %dma_start3A_117 : memref<1x128xi32, #tpu.memory_space<vmem>> -> memref<128xi32, #tpu.memory_space<vmem>>
    %dma_start3A_119 = arith.constant 0 : i32
    %dma_start3A_120 = arith.constant 0 : i32
    %dma_start3A_121 = tpu.memref_slice %arg3[%dma_start3A_119, %dma_start3A_120] : memref<1002x16xf32, #tpu.memory_space<hbm>> -> memref<1002x16xf32, #tpu.memory_space<hbm>>
    tpu.enqueue_indirect_dma source(%dma_start3A_121 : memref<1002x16xf32, #tpu.memory_space<hbm>>) target(%dma_start3A_115 : memref<128x16xf32, #tpu.memory_space<vmem>>) offsets(%dma_start3A_118 : memref<128xi32, #tpu.memory_space<vmem>>) semaphore(%arg8 : memref<!tpu.dma_semaphore, #tpu.memory_space<semaphore_mem>>)
    %dma_start3A_122 = arith.constant 10 : i32
    %dma_start3A_123 = arith.constant 10 : i32
    %dma_start3A_124 = arith.constant 0 : i32
    %dma_start3A_125 = arith.constant 0 : i32
    %dma_start3A_126 = tpu.memref_slice %arg6[%dma_start3A_123, %dma_start3A_124, %dma_start3A_125] : memref<20x128x16xf32, #tpu.memory_space<vmem>> -> memref<1x128x16xf32, #tpu.memory_space<vmem>>
    %dma_start3A_127 = tpu.memref_squeeze %dma_start3A_126 : memref<1x128x16xf32, #tpu.memory_space<vmem>> -> memref<128x16xf32, #tpu.memory_space<vmem>>
    %dma_start3A_128 = arith.constant 0 : i32
    %dma_start3A_129 = tpu.memref_slice %arg5[%dma_start3A_122, %dma_start3A_128] : memref<20x128xi32, #tpu.memory_space<vmem>> -> memref<1x128xi32, #tpu.memory_space<vmem>>
    %dma_start3A_130 = tpu.memref_squeeze %dma_start3A_129 : memref<1x128xi32, #tpu.memory_space<vmem>> -> memref<128xi32, #tpu.memory_space<vmem>>
    %dma_start3A_131 = arith.constant 0 : i32
    %dma_start3A_132 = arith.constant 0 : i32
    %dma_start3A_133 = tpu.memref_slice %arg3[%dma_start3A_131, %dma_start3A_132] : memref<1002x16xf32, #tpu.memory_space<hbm>> -> memref<1002x16xf32, #tpu.memory_space<hbm>>
    tpu.enqueue_indirect_dma source(%dma_start3A_133 : memref<1002x16xf32, #tpu.memory_space<hbm>>) target(%dma_start3A_127 : memref<128x16xf32, #tpu.memory_space<vmem>>) offsets(%dma_start3A_130 : memref<128xi32, #tpu.memory_space<vmem>>) semaphore(%arg8 : memref<!tpu.dma_semaphore, #tpu.memory_space<semaphore_mem>>)
    %dma_start3A_134 = arith.constant 11 : i32
    %dma_start3A_135 = arith.constant 11 : i32
    %dma_start3A_136 = arith.constant 0 : i32
    %dma_start3A_137 = arith.constant 0 : i32
    %dma_start3A_138 = tpu.memref_slice %arg6[%dma_start3A_135, %dma_start3A_136, %dma_start3A_137] : memref<20x128x16xf32, #tpu.memory_space<vmem>> -> memref<1x128x16xf32, #tpu.memory_space<vmem>>
    %dma_start3A_139 = tpu.memref_squeeze %dma_start3A_138 : memref<1x128x16xf32, #tpu.memory_space<vmem>> -> memref<128x16xf32, #tpu.memory_space<vmem>>
    %dma_start3A_140 = arith.constant 0 : i32
    %dma_start3A_141 = tpu.memref_slice %arg5[%dma_start3A_134, %dma_start3A_140] : memref<20x128xi32, #tpu.memory_space<vmem>> -> memref<1x128xi32, #tpu.memory_space<vmem>>
    %dma_start3A_142 = tpu.memref_squeeze %dma_start3A_141 : memref<1x128xi32, #tpu.memory_space<vmem>> -> memref<128xi32, #tpu.memory_space<vmem>>
    %dma_start3A_143 = arith.constant 0 : i32
    %dma_start3A_144 = arith.constant 0 : i32
    %dma_start3A_145 = tpu.memref_slice %arg3[%dma_start3A_143, %dma_start3A_144] : memref<1002x16xf32, #tpu.memory_space<hbm>> -> memref<1002x16xf32, #tpu.memory_space<hbm>>
    tpu.enqueue_indirect_dma source(%dma_start3A_145 : memref<1002x16xf32, #tpu.memory_space<hbm>>) target(%dma_start3A_139 : memref<128x16xf32, #tpu.memory_space<vmem>>) offsets(%dma_start3A_142 : memref<128xi32, #tpu.memory_space<vmem>>) semaphore(%arg8 : memref<!tpu.dma_semaphore, #tpu.memory_space<semaphore_mem>>)
    %dma_start3A_146 = arith.constant 12 : i32
    %dma_start3A_147 = arith.constant 12 : i32
    %dma_start3A_148 = arith.constant 0 : i32
    %dma_start3A_149 = arith.constant 0 : i32
    %dma_start3A_150 = tpu.memref_slice %arg6[%dma_start3A_147, %dma_start3A_148, %dma_start3A_149] : memref<20x128x16xf32, #tpu.memory_space<vmem>> -> memref<1x128x16xf32, #tpu.memory_space<vmem>>
    %dma_start3A_151 = tpu.memref_squeeze %dma_start3A_150 : memref<1x128x16xf32, #tpu.memory_space<vmem>> -> memref<128x16xf32, #tpu.memory_space<vmem>>
    %dma_start3A_152 = arith.constant 0 : i32
    %dma_start3A_153 = tpu.memref_slice %arg5[%dma_start3A_146, %dma_start3A_152] : memref<20x128xi32, #tpu.memory_space<vmem>> -> memref<1x128xi32, #tpu.memory_space<vmem>>
    %dma_start3A_154 = tpu.memref_squeeze %dma_start3A_153 : memref<1x128xi32, #tpu.memory_space<vmem>> -> memref<128xi32, #tpu.memory_space<vmem>>
    %dma_start3A_155 = arith.constant 0 : i32
    %dma_start3A_156 = arith.constant 0 : i32
    %dma_start3A_157 = tpu.memref_slice %arg3[%dma_start3A_155, %dma_start3A_156] : memref<1002x16xf32, #tpu.memory_space<hbm>> -> memref<1002x16xf32, #tpu.memory_space<hbm>>
    tpu.enqueue_indirect_dma source(%dma_start3A_157 : memref<1002x16xf32, #tpu.memory_space<hbm>>) target(%dma_start3A_151 : memref<128x16xf32, #tpu.memory_space<vmem>>) offsets(%dma_start3A_154 : memref<128xi32, #tpu.memory_space<vmem>>) semaphore(%arg8 : memref<!tpu.dma_semaphore, #tpu.memory_space<semaphore_mem>>)
    %dma_start3A_158 = arith.constant 13 : i32
    %dma_start3A_159 = arith.constant 13 : i32
    %dma_start3A_160 = arith.constant 0 : i32
    %dma_start3A_161 = arith.constant 0 : i32
    %dma_start3A_162 = tpu.memref_slice %arg6[%dma_start3A_159, %dma_start3A_160, %dma_start3A_161] : memref<20x128x16xf32, #tpu.memory_space<vmem>> -> memref<1x128x16xf32, #tpu.memory_space<vmem>>
    %dma_start3A_163 = tpu.memref_squeeze %dma_start3A_162 : memref<1x128x16xf32, #tpu.memory_space<vmem>> -> memref<128x16xf32, #tpu.memory_space<vmem>>
    %dma_start3A_164 = arith.constant 0 : i32
    %dma_start3A_165 = tpu.memref_slice %arg5[%dma_start3A_158, %dma_start3A_164] : memref<20x128xi32, #tpu.memory_space<vmem>> -> memref<1x128xi32, #tpu.memory_space<vmem>>
    %dma_start3A_166 = tpu.memref_squeeze %dma_start3A_165 : memref<1x128xi32, #tpu.memory_space<vmem>> -> memref<128xi32, #tpu.memory_space<vmem>>
    %dma_start3A_167 = arith.constant 0 : i32
    %dma_start3A_168 = arith.constant 0 : i32
    %dma_start3A_169 = tpu.memref_slice %arg3[%dma_start3A_167, %dma_start3A_168] : memref<1002x16xf32, #tpu.memory_space<hbm>> -> memref<1002x16xf32, #tpu.memory_space<hbm>>
    tpu.enqueue_indirect_dma source(%dma_start3A_169 : memref<1002x16xf32, #tpu.memory_space<hbm>>) target(%dma_start3A_163 : memref<128x16xf32, #tpu.memory_space<vmem>>) offsets(%dma_start3A_166 : memref<128xi32, #tpu.memory_space<vmem>>) semaphore(%arg8 : memref<!tpu.dma_semaphore, #tpu.memory_space<semaphore_mem>>)
    %dma_start3A_170 = arith.constant 14 : i32
    %dma_start3A_171 = arith.constant 14 : i32
    %dma_start3A_172 = arith.constant 0 : i32
    %dma_start3A_173 = arith.constant 0 : i32
    %dma_start3A_174 = tpu.memref_slice %arg6[%dma_start3A_171, %dma_start3A_172, %dma_start3A_173] : memref<20x128x16xf32, #tpu.memory_space<vmem>> -> memref<1x128x16xf32, #tpu.memory_space<vmem>>
    %dma_start3A_175 = tpu.memref_squeeze %dma_start3A_174 : memref<1x128x16xf32, #tpu.memory_space<vmem>> -> memref<128x16xf32, #tpu.memory_space<vmem>>
    %dma_start3A_176 = arith.constant 0 : i32
    %dma_start3A_177 = tpu.memref_slice %arg5[%dma_start3A_170, %dma_start3A_176] : memref<20x128xi32, #tpu.memory_space<vmem>> -> memref<1x128xi32, #tpu.memory_space<vmem>>
    %dma_start3A_178 = tpu.memref_squeeze %dma_start3A_177 : memref<1x128xi32, #tpu.memory_space<vmem>> -> memref<128xi32, #tpu.memory_space<vmem>>
    %dma_start3A_179 = arith.constant 0 : i32
    %dma_start3A_180 = arith.constant 0 : i32
    %dma_start3A_181 = tpu.memref_slice %arg3[%dma_start3A_179, %dma_start3A_180] : memref<1002x16xf32, #tpu.memory_space<hbm>> -> memref<1002x16xf32, #tpu.memory_space<hbm>>
    tpu.enqueue_indirect_dma source(%dma_start3A_181 : memref<1002x16xf32, #tpu.memory_space<hbm>>) target(%dma_start3A_175 : memref<128x16xf32, #tpu.memory_space<vmem>>) offsets(%dma_start3A_178 : memref<128xi32, #tpu.memory_space<vmem>>) semaphore(%arg8 : memref<!tpu.dma_semaphore, #tpu.memory_space<semaphore_mem>>)
    %dma_start3A_182 = arith.constant 15 : i32
    %dma_start3A_183 = arith.constant 15 : i32
    %dma_start3A_184 = arith.constant 0 : i32
    %dma_start3A_185 = arith.constant 0 : i32
    %dma_start3A_186 = tpu.memref_slice %arg6[%dma_start3A_183, %dma_start3A_184, %dma_start3A_185] : memref<20x128x16xf32, #tpu.memory_space<vmem>> -> memref<1x128x16xf32, #tpu.memory_space<vmem>>
    %dma_start3A_187 = tpu.memref_squeeze %dma_start3A_186 : memref<1x128x16xf32, #tpu.memory_space<vmem>> -> memref<128x16xf32, #tpu.memory_space<vmem>>
    %dma_start3A_188 = arith.constant 0 : i32
    %dma_start3A_189 = tpu.memref_slice %arg5[%dma_start3A_182, %dma_start3A_188] : memref<20x128xi32, #tpu.memory_space<vmem>> -> memref<1x128xi32, #tpu.memory_space<vmem>>
    %dma_start3A_190 = tpu.memref_squeeze %dma_start3A_189 : memref<1x128xi32, #tpu.memory_space<vmem>> -> memref<128xi32, #tpu.memory_space<vmem>>
    %dma_start3A_191 = arith.constant 0 : i32
    %dma_start3A_192 = arith.constant 0 : i32
    %dma_start3A_193 = tpu.memref_slice %arg3[%dma_start3A_191, %dma_start3A_192] : memref<1002x16xf32, #tpu.memory_space<hbm>> -> memref<1002x16xf32, #tpu.memory_space<hbm>>
    tpu.enqueue_indirect_dma source(%dma_start3A_193 : memref<1002x16xf32, #tpu.memory_space<hbm>>) target(%dma_start3A_187 : memref<128x16xf32, #tpu.memory_space<vmem>>) offsets(%dma_start3A_190 : memref<128xi32, #tpu.memory_space<vmem>>) semaphore(%arg8 : memref<!tpu.dma_semaphore, #tpu.memory_space<semaphore_mem>>)
    %dma_start3A_194 = arith.constant 16 : i32
    %dma_start3A_195 = arith.constant 16 : i32
    %dma_start3A_196 = arith.constant 0 : i32
    %dma_start3A_197 = arith.constant 0 : i32
    %dma_start3A_198 = tpu.memref_slice %arg6[%dma_start3A_195, %dma_start3A_196, %dma_start3A_197] : memref<20x128x16xf32, #tpu.memory_space<vmem>> -> memref<1x128x16xf32, #tpu.memory_space<vmem>>
    %dma_start3A_199 = tpu.memref_squeeze %dma_start3A_198 : memref<1x128x16xf32, #tpu.memory_space<vmem>> -> memref<128x16xf32, #tpu.memory_space<vmem>>
    %dma_start3A_200 = arith.constant 0 : i32
    %dma_start3A_201 = tpu.memref_slice %arg5[%dma_start3A_194, %dma_start3A_200] : memref<20x128xi32, #tpu.memory_space<vmem>> -> memref<1x128xi32, #tpu.memory_space<vmem>>
    %dma_start3A_202 = tpu.memref_squeeze %dma_start3A_201 : memref<1x128xi32, #tpu.memory_space<vmem>> -> memref<128xi32, #tpu.memory_space<vmem>>
    %dma_start3A_203 = arith.constant 0 : i32
    %dma_start3A_204 = arith.constant 0 : i32
    %dma_start3A_205 = tpu.memref_slice %arg3[%dma_start3A_203, %dma_start3A_204] : memref<1002x16xf32, #tpu.memory_space<hbm>> -> memref<1002x16xf32, #tpu.memory_space<hbm>>
    tpu.enqueue_indirect_dma source(%dma_start3A_205 : memref<1002x16xf32, #tpu.memory_space<hbm>>) target(%dma_start3A_199 : memref<128x16xf32, #tpu.memory_space<vmem>>) offsets(%dma_start3A_202 : memref<128xi32, #tpu.memory_space<vmem>>) semaphore(%arg8 : memref<!tpu.dma_semaphore, #tpu.memory_space<semaphore_mem>>)
    %dma_start3A_206 = arith.constant 17 : i32
    %dma_start3A_207 = arith.constant 17 : i32
    %dma_start3A_208 = arith.constant 0 : i32
    %dma_start3A_209 = arith.constant 0 : i32
    %dma_start3A_210 = tpu.memref_slice %arg6[%dma_start3A_207, %dma_start3A_208, %dma_start3A_209] : memref<20x128x16xf32, #tpu.memory_space<vmem>> -> memref<1x128x16xf32, #tpu.memory_space<vmem>>
    %dma_start3A_211 = tpu.memref_squeeze %dma_start3A_210 : memref<1x128x16xf32, #tpu.memory_space<vmem>> -> memref<128x16xf32, #tpu.memory_space<vmem>>
    %dma_start3A_212 = arith.constant 0 : i32
    %dma_start3A_213 = tpu.memref_slice %arg5[%dma_start3A_206, %dma_start3A_212] : memref<20x128xi32, #tpu.memory_space<vmem>> -> memref<1x128xi32, #tpu.memory_space<vmem>>
    %dma_start3A_214 = tpu.memref_squeeze %dma_start3A_213 : memref<1x128xi32, #tpu.memory_space<vmem>> -> memref<128xi32, #tpu.memory_space<vmem>>
    %dma_start3A_215 = arith.constant 0 : i32
    %dma_start3A_216 = arith.constant 0 : i32
    %dma_start3A_217 = tpu.memref_slice %arg3[%dma_start3A_215, %dma_start3A_216] : memref<1002x16xf32, #tpu.memory_space<hbm>> -> memref<1002x16xf32, #tpu.memory_space<hbm>>
    tpu.enqueue_indirect_dma source(%dma_start3A_217 : memref<1002x16xf32, #tpu.memory_space<hbm>>) target(%dma_start3A_211 : memref<128x16xf32, #tpu.memory_space<vmem>>) offsets(%dma_start3A_214 : memref<128xi32, #tpu.memory_space<vmem>>) semaphore(%arg8 : memref<!tpu.dma_semaphore, #tpu.memory_space<semaphore_mem>>)
    %dma_start3A_218 = arith.constant 18 : i32
    %dma_start3A_219 = arith.constant 18 : i32
    %dma_start3A_220 = arith.constant 0 : i32
    %dma_start3A_221 = arith.constant 0 : i32
    %dma_start3A_222 = tpu.memref_slice %arg6[%dma_start3A_219, %dma_start3A_220, %dma_start3A_221] : memref<20x128x16xf32, #tpu.memory_space<vmem>> -> memref<1x128x16xf32, #tpu.memory_space<vmem>>
    %dma_start3A_223 = tpu.memref_squeeze %dma_start3A_222 : memref<1x128x16xf32, #tpu.memory_space<vmem>> -> memref<128x16xf32, #tpu.memory_space<vmem>>
    %dma_start3A_224 = arith.constant 0 : i32
    %dma_start3A_225 = tpu.memref_slice %arg5[%dma_start3A_218, %dma_start3A_224] : memref<20x128xi32, #tpu.memory_space<vmem>> -> memref<1x128xi32, #tpu.memory_space<vmem>>
    %dma_start3A_226 = tpu.memref_squeeze %dma_start3A_225 : memref<1x128xi32, #tpu.memory_space<vmem>> -> memref<128xi32, #tpu.memory_space<vmem>>
    %dma_start3A_227 = arith.constant 0 : i32
    %dma_start3A_228 = arith.constant 0 : i32
    %dma_start3A_229 = tpu.memref_slice %arg3[%dma_start3A_227, %dma_start3A_228] : memref<1002x16xf32, #tpu.memory_space<hbm>> -> memref<1002x16xf32, #tpu.memory_space<hbm>>
    tpu.enqueue_indirect_dma source(%dma_start3A_229 : memref<1002x16xf32, #tpu.memory_space<hbm>>) target(%dma_start3A_223 : memref<128x16xf32, #tpu.memory_space<vmem>>) offsets(%dma_start3A_226 : memref<128xi32, #tpu.memory_space<vmem>>) semaphore(%arg8 : memref<!tpu.dma_semaphore, #tpu.memory_space<semaphore_mem>>)
    %dma_start3A_230 = arith.constant 19 : i32
    %dma_start3A_231 = arith.constant 19 : i32
    %dma_start3A_232 = arith.constant 0 : i32
    %dma_start3A_233 = arith.constant 0 : i32
    %dma_start3A_234 = tpu.memref_slice %arg6[%dma_start3A_231, %dma_start3A_232, %dma_start3A_233] : memref<20x128x16xf32, #tpu.memory_space<vmem>> -> memref<1x128x16xf32, #tpu.memory_space<vmem>>
    %dma_start3A_235 = tpu.memref_squeeze %dma_start3A_234 : memref<1x128x16xf32, #tpu.memory_space<vmem>> -> memref<128x16xf32, #tpu.memory_space<vmem>>
    %dma_start3A_236 = arith.constant 0 : i32
    %dma_start3A_237 = tpu.memref_slice %arg5[%dma_start3A_230, %dma_start3A_236] : memref<20x128xi32, #tpu.memory_space<vmem>> -> memref<1x128xi32, #tpu.memory_space<vmem>>
    %dma_start3A_238 = tpu.memref_squeeze %dma_start3A_237 : memref<1x128xi32, #tpu.memory_space<vmem>> -> memref<128xi32, #tpu.memory_space<vmem>>
    %dma_start3A_239 = arith.constant 0 : i32
    %dma_start3A_240 = arith.constant 0 : i32
    %dma_start3A_241 = tpu.memref_slice %arg3[%dma_start3A_239, %dma_start3A_240] : memref<1002x16xf32, #tpu.memory_space<hbm>> -> memref<1002x16xf32, #tpu.memory_space<hbm>>
    tpu.enqueue_indirect_dma source(%dma_start3A_241 : memref<1002x16xf32, #tpu.memory_space<hbm>>) target(%dma_start3A_235 : memref<128x16xf32, #tpu.memory_space<vmem>>) offsets(%dma_start3A_238 : memref<128xi32, #tpu.memory_space<vmem>>) semaphore(%arg8 : memref<!tpu.dma_semaphore, #tpu.memory_space<semaphore_mem>>)
    %dma_wait3A = arith.constant 0 : i32
    %dma_wait3A_242 = arith.constant 0 : i32
    %dma_wait3A_243 = arith.constant 0 : i32
    %dma_wait3A_244 = arith.constant 0 : i32
    %dma_wait3A_245 = tpu.memref_slice %arg6[%dma_wait3A_242, %dma_wait3A_243, %dma_wait3A_244] : memref<20x128x16xf32, #tpu.memory_space<vmem>> -> memref<1x128x16xf32, #tpu.memory_space<vmem>>
    %dma_wait3A_246 = tpu.memref_squeeze %dma_wait3A_245 : memref<1x128x16xf32, #tpu.memory_space<vmem>> -> memref<128x16xf32, #tpu.memory_space<vmem>>
    %dma_wait3A_247 = arith.constant 0 : i32
    %dma_wait3A_248 = tpu.memref_slice %arg5[%dma_wait3A, %dma_wait3A_247] : memref<20x128xi32, #tpu.memory_space<vmem>> -> memref<1x128xi32, #tpu.memory_space<vmem>>
    %dma_wait3A_249 = tpu.memref_squeeze %dma_wait3A_248 : memref<1x128xi32, #tpu.memory_space<vmem>> -> memref<128xi32, #tpu.memory_space<vmem>>
    %dma_wait3A_250 = arith.constant 0 : i32
    %dma_wait3A_251 = arith.constant 0 : i32
    %dma_wait3A_252 = tpu.memref_slice %arg3[%dma_wait3A_250, %dma_wait3A_251] : memref<1002x16xf32, #tpu.memory_space<hbm>> -> memref<1002x16xf32, #tpu.memory_space<hbm>>
    tpu.wait_indirect_dma semaphore(%arg8 : memref<!tpu.dma_semaphore, #tpu.memory_space<semaphore_mem>>) src(%dma_wait3A_252 : memref<1002x16xf32, #tpu.memory_space<hbm>>) dst(%dma_wait3A_246 : memref<128x16xf32, #tpu.memory_space<vmem>>)
    %dma_wait3A_253 = arith.constant 1 : i32
    %dma_wait3A_254 = arith.constant 1 : i32
    %dma_wait3A_255 = arith.constant 0 : i32
    %dma_wait3A_256 = arith.constant 0 : i32
    %dma_wait3A_257 = tpu.memref_slice %arg6[%dma_wait3A_254, %dma_wait3A_255, %dma_wait3A_256] : memref<20x128x16xf32, #tpu.memory_space<vmem>> -> memref<1x128x16xf32, #tpu.memory_space<vmem>>
    %dma_wait3A_258 = tpu.memref_squeeze %dma_wait3A_257 : memref<1x128x16xf32, #tpu.memory_space<vmem>> -> memref<128x16xf32, #tpu.memory_space<vmem>>
    %dma_wait3A_259 = arith.constant 0 : i32
    %dma_wait3A_260 = tpu.memref_slice %arg5[%dma_wait3A_253, %dma_wait3A_259] : memref<20x128xi32, #tpu.memory_space<vmem>> -> memref<1x128xi32, #tpu.memory_space<vmem>>
    %dma_wait3A_261 = tpu.memref_squeeze %dma_wait3A_260 : memref<1x128xi32, #tpu.memory_space<vmem>> -> memref<128xi32, #tpu.memory_space<vmem>>
    %dma_wait3A_262 = arith.constant 0 : i32
    %dma_wait3A_263 = arith.constant 0 : i32
    %dma_wait3A_264 = tpu.memref_slice %arg3[%dma_wait3A_262, %dma_wait3A_263] : memref<1002x16xf32, #tpu.memory_space<hbm>> -> memref<1002x16xf32, #tpu.memory_space<hbm>>
    tpu.wait_indirect_dma semaphore(%arg8 : memref<!tpu.dma_semaphore, #tpu.memory_space<semaphore_mem>>) src(%dma_wait3A_264 : memref<1002x16xf32, #tpu.memory_space<hbm>>) dst(%dma_wait3A_258 : memref<128x16xf32, #tpu.memory_space<vmem>>)
    %dma_wait3A_265 = arith.constant 2 : i32
    %dma_wait3A_266 = arith.constant 2 : i32
    %dma_wait3A_267 = arith.constant 0 : i32
    %dma_wait3A_268 = arith.constant 0 : i32
    %dma_wait3A_269 = tpu.memref_slice %arg6[%dma_wait3A_266, %dma_wait3A_267, %dma_wait3A_268] : memref<20x128x16xf32, #tpu.memory_space<vmem>> -> memref<1x128x16xf32, #tpu.memory_space<vmem>>
    %dma_wait3A_270 = tpu.memref_squeeze %dma_wait3A_269 : memref<1x128x16xf32, #tpu.memory_space<vmem>> -> memref<128x16xf32, #tpu.memory_space<vmem>>
    %dma_wait3A_271 = arith.constant 0 : i32
    %dma_wait3A_272 = tpu.memref_slice %arg5[%dma_wait3A_265, %dma_wait3A_271] : memref<20x128xi32, #tpu.memory_space<vmem>> -> memref<1x128xi32, #tpu.memory_space<vmem>>
    %dma_wait3A_273 = tpu.memref_squeeze %dma_wait3A_272 : memref<1x128xi32, #tpu.memory_space<vmem>> -> memref<128xi32, #tpu.memory_space<vmem>>
    %dma_wait3A_274 = arith.constant 0 : i32
    %dma_wait3A_275 = arith.constant 0 : i32
    %dma_wait3A_276 = tpu.memref_slice %arg3[%dma_wait3A_274, %dma_wait3A_275] : memref<1002x16xf32, #tpu.memory_space<hbm>> -> memref<1002x16xf32, #tpu.memory_space<hbm>>
    tpu.wait_indirect_dma semaphore(%arg8 : memref<!tpu.dma_semaphore, #tpu.memory_space<semaphore_mem>>) src(%dma_wait3A_276 : memref<1002x16xf32, #tpu.memory_space<hbm>>) dst(%dma_wait3A_270 : memref<128x16xf32, #tpu.memory_space<vmem>>)
    %dma_wait3A_277 = arith.constant 3 : i32
    %dma_wait3A_278 = arith.constant 3 : i32
    %dma_wait3A_279 = arith.constant 0 : i32
    %dma_wait3A_280 = arith.constant 0 : i32
    %dma_wait3A_281 = tpu.memref_slice %arg6[%dma_wait3A_278, %dma_wait3A_279, %dma_wait3A_280] : memref<20x128x16xf32, #tpu.memory_space<vmem>> -> memref<1x128x16xf32, #tpu.memory_space<vmem>>
    %dma_wait3A_282 = tpu.memref_squeeze %dma_wait3A_281 : memref<1x128x16xf32, #tpu.memory_space<vmem>> -> memref<128x16xf32, #tpu.memory_space<vmem>>
    %dma_wait3A_283 = arith.constant 0 : i32
    %dma_wait3A_284 = tpu.memref_slice %arg5[%dma_wait3A_277, %dma_wait3A_283] : memref<20x128xi32, #tpu.memory_space<vmem>> -> memref<1x128xi32, #tpu.memory_space<vmem>>
    %dma_wait3A_285 = tpu.memref_squeeze %dma_wait3A_284 : memref<1x128xi32, #tpu.memory_space<vmem>> -> memref<128xi32, #tpu.memory_space<vmem>>
    %dma_wait3A_286 = arith.constant 0 : i32
    %dma_wait3A_287 = arith.constant 0 : i32
    %dma_wait3A_288 = tpu.memref_slice %arg3[%dma_wait3A_286, %dma_wait3A_287] : memref<1002x16xf32, #tpu.memory_space<hbm>> -> memref<1002x16xf32, #tpu.memory_space<hbm>>
    tpu.wait_indirect_dma semaphore(%arg8 : memref<!tpu.dma_semaphore, #tpu.memory_space<semaphore_mem>>) src(%dma_wait3A_288 : memref<1002x16xf32, #tpu.memory_space<hbm>>) dst(%dma_wait3A_282 : memref<128x16xf32, #tpu.memory_space<vmem>>)
    %dma_wait3A_289 = arith.constant 4 : i32
    %dma_wait3A_290 = arith.constant 4 : i32
    %dma_wait3A_291 = arith.constant 0 : i32
    %dma_wait3A_292 = arith.constant 0 : i32
    %dma_wait3A_293 = tpu.memref_slice %arg6[%dma_wait3A_290, %dma_wait3A_291, %dma_wait3A_292] : memref<20x128x16xf32, #tpu.memory_space<vmem>> -> memref<1x128x16xf32, #tpu.memory_space<vmem>>
    %dma_wait3A_294 = tpu.memref_squeeze %dma_wait3A_293 : memref<1x128x16xf32, #tpu.memory_space<vmem>> -> memref<128x16xf32, #tpu.memory_space<vmem>>
    %dma_wait3A_295 = arith.constant 0 : i32
    %dma_wait3A_296 = tpu.memref_slice %arg5[%dma_wait3A_289, %dma_wait3A_295] : memref<20x128xi32, #tpu.memory_space<vmem>> -> memref<1x128xi32, #tpu.memory_space<vmem>>
    %dma_wait3A_297 = tpu.memref_squeeze %dma_wait3A_296 : memref<1x128xi32, #tpu.memory_space<vmem>> -> memref<128xi32, #tpu.memory_space<vmem>>
    %dma_wait3A_298 = arith.constant 0 : i32
    %dma_wait3A_299 = arith.constant 0 : i32
    %dma_wait3A_300 = tpu.memref_slice %arg3[%dma_wait3A_298, %dma_wait3A_299] : memref<1002x16xf32, #tpu.memory_space<hbm>> -> memref<1002x16xf32, #tpu.memory_space<hbm>>
    tpu.wait_indirect_dma semaphore(%arg8 : memref<!tpu.dma_semaphore, #tpu.memory_space<semaphore_mem>>) src(%dma_wait3A_300 : memref<1002x16xf32, #tpu.memory_space<hbm>>) dst(%dma_wait3A_294 : memref<128x16xf32, #tpu.memory_space<vmem>>)
    %dma_wait3A_301 = arith.constant 5 : i32
    %dma_wait3A_302 = arith.constant 5 : i32
    %dma_wait3A_303 = arith.constant 0 : i32
    %dma_wait3A_304 = arith.constant 0 : i32
    %dma_wait3A_305 = tpu.memref_slice %arg6[%dma_wait3A_302, %dma_wait3A_303, %dma_wait3A_304] : memref<20x128x16xf32, #tpu.memory_space<vmem>> -> memref<1x128x16xf32, #tpu.memory_space<vmem>>
    %dma_wait3A_306 = tpu.memref_squeeze %dma_wait3A_305 : memref<1x128x16xf32, #tpu.memory_space<vmem>> -> memref<128x16xf32, #tpu.memory_space<vmem>>
    %dma_wait3A_307 = arith.constant 0 : i32
    %dma_wait3A_308 = tpu.memref_slice %arg5[%dma_wait3A_301, %dma_wait3A_307] : memref<20x128xi32, #tpu.memory_space<vmem>> -> memref<1x128xi32, #tpu.memory_space<vmem>>
    %dma_wait3A_309 = tpu.memref_squeeze %dma_wait3A_308 : memref<1x128xi32, #tpu.memory_space<vmem>> -> memref<128xi32, #tpu.memory_space<vmem>>
    %dma_wait3A_310 = arith.constant 0 : i32
    %dma_wait3A_311 = arith.constant 0 : i32
    %dma_wait3A_312 = tpu.memref_slice %arg3[%dma_wait3A_310, %dma_wait3A_311] : memref<1002x16xf32, #tpu.memory_space<hbm>> -> memref<1002x16xf32, #tpu.memory_space<hbm>>
    tpu.wait_indirect_dma semaphore(%arg8 : memref<!tpu.dma_semaphore, #tpu.memory_space<semaphore_mem>>) src(%dma_wait3A_312 : memref<1002x16xf32, #tpu.memory_space<hbm>>) dst(%dma_wait3A_306 : memref<128x16xf32, #tpu.memory_space<vmem>>)
    %dma_wait3A_313 = arith.constant 6 : i32
    %dma_wait3A_314 = arith.constant 6 : i32
    %dma_wait3A_315 = arith.constant 0 : i32
    %dma_wait3A_316 = arith.constant 0 : i32
    %dma_wait3A_317 = tpu.memref_slice %arg6[%dma_wait3A_314, %dma_wait3A_315, %dma_wait3A_316] : memref<20x128x16xf32, #tpu.memory_space<vmem>> -> memref<1x128x16xf32, #tpu.memory_space<vmem>>
    %dma_wait3A_318 = tpu.memref_squeeze %dma_wait3A_317 : memref<1x128x16xf32, #tpu.memory_space<vmem>> -> memref<128x16xf32, #tpu.memory_space<vmem>>
    %dma_wait3A_319 = arith.constant 0 : i32
    %dma_wait3A_320 = tpu.memref_slice %arg5[%dma_wait3A_313, %dma_wait3A_319] : memref<20x128xi32, #tpu.memory_space<vmem>> -> memref<1x128xi32, #tpu.memory_space<vmem>>
    %dma_wait3A_321 = tpu.memref_squeeze %dma_wait3A_320 : memref<1x128xi32, #tpu.memory_space<vmem>> -> memref<128xi32, #tpu.memory_space<vmem>>
    %dma_wait3A_322 = arith.constant 0 : i32
    %dma_wait3A_323 = arith.constant 0 : i32
    %dma_wait3A_324 = tpu.memref_slice %arg3[%dma_wait3A_322, %dma_wait3A_323] : memref<1002x16xf32, #tpu.memory_space<hbm>> -> memref<1002x16xf32, #tpu.memory_space<hbm>>
    tpu.wait_indirect_dma semaphore(%arg8 : memref<!tpu.dma_semaphore, #tpu.memory_space<semaphore_mem>>) src(%dma_wait3A_324 : memref<1002x16xf32, #tpu.memory_space<hbm>>) dst(%dma_wait3A_318 : memref<128x16xf32, #tpu.memory_space<vmem>>)
    %dma_wait3A_325 = arith.constant 7 : i32
    %dma_wait3A_326 = arith.constant 7 : i32
    %dma_wait3A_327 = arith.constant 0 : i32
    %dma_wait3A_328 = arith.constant 0 : i32
    %dma_wait3A_329 = tpu.memref_slice %arg6[%dma_wait3A_326, %dma_wait3A_327, %dma_wait3A_328] : memref<20x128x16xf32, #tpu.memory_space<vmem>> -> memref<1x128x16xf32, #tpu.memory_space<vmem>>
    %dma_wait3A_330 = tpu.memref_squeeze %dma_wait3A_329 : memref<1x128x16xf32, #tpu.memory_space<vmem>> -> memref<128x16xf32, #tpu.memory_space<vmem>>
    %dma_wait3A_331 = arith.constant 0 : i32
    %dma_wait3A_332 = tpu.memref_slice %arg5[%dma_wait3A_325, %dma_wait3A_331] : memref<20x128xi32, #tpu.memory_space<vmem>> -> memref<1x128xi32, #tpu.memory_space<vmem>>
    %dma_wait3A_333 = tpu.memref_squeeze %dma_wait3A_332 : memref<1x128xi32, #tpu.memory_space<vmem>> -> memref<128xi32, #tpu.memory_space<vmem>>
    %dma_wait3A_334 = arith.constant 0 : i32
    %dma_wait3A_335 = arith.constant 0 : i32
    %dma_wait3A_336 = tpu.memref_slice %arg3[%dma_wait3A_334, %dma_wait3A_335] : memref<1002x16xf32, #tpu.memory_space<hbm>> -> memref<1002x16xf32, #tpu.memory_space<hbm>>
    tpu.wait_indirect_dma semaphore(%arg8 : memref<!tpu.dma_semaphore, #tpu.memory_space<semaphore_mem>>) src(%dma_wait3A_336 : memref<1002x16xf32, #tpu.memory_space<hbm>>) dst(%dma_wait3A_330 : memref<128x16xf32, #tpu.memory_space<vmem>>)
    %dma_wait3A_337 = arith.constant 8 : i32
    %dma_wait3A_338 = arith.constant 8 : i32
    %dma_wait3A_339 = arith.constant 0 : i32
    %dma_wait3A_340 = arith.constant 0 : i32
    %dma_wait3A_341 = tpu.memref_slice %arg6[%dma_wait3A_338, %dma_wait3A_339, %dma_wait3A_340] : memref<20x128x16xf32, #tpu.memory_space<vmem>> -> memref<1x128x16xf32, #tpu.memory_space<vmem>>
    %dma_wait3A_342 = tpu.memref_squeeze %dma_wait3A_341 : memref<1x128x16xf32, #tpu.memory_space<vmem>> -> memref<128x16xf32, #tpu.memory_space<vmem>>
    %dma_wait3A_343 = arith.constant 0 : i32
    %dma_wait3A_344 = tpu.memref_slice %arg5[%dma_wait3A_337, %dma_wait3A_343] : memref<20x128xi32, #tpu.memory_space<vmem>> -> memref<1x128xi32, #tpu.memory_space<vmem>>
    %dma_wait3A_345 = tpu.memref_squeeze %dma_wait3A_344 : memref<1x128xi32, #tpu.memory_space<vmem>> -> memref<128xi32, #tpu.memory_space<vmem>>
    %dma_wait3A_346 = arith.constant 0 : i32
    %dma_wait3A_347 = arith.constant 0 : i32
    %dma_wait3A_348 = tpu.memref_slice %arg3[%dma_wait3A_346, %dma_wait3A_347] : memref<1002x16xf32, #tpu.memory_space<hbm>> -> memref<1002x16xf32, #tpu.memory_space<hbm>>
    tpu.wait_indirect_dma semaphore(%arg8 : memref<!tpu.dma_semaphore, #tpu.memory_space<semaphore_mem>>) src(%dma_wait3A_348 : memref<1002x16xf32, #tpu.memory_space<hbm>>) dst(%dma_wait3A_342 : memref<128x16xf32, #tpu.memory_space<vmem>>)
    %dma_wait3A_349 = arith.constant 9 : i32
    %dma_wait3A_350 = arith.constant 9 : i32
    %dma_wait3A_351 = arith.constant 0 : i32
    %dma_wait3A_352 = arith.constant 0 : i32
    %dma_wait3A_353 = tpu.memref_slice %arg6[%dma_wait3A_350, %dma_wait3A_351, %dma_wait3A_352] : memref<20x128x16xf32, #tpu.memory_space<vmem>> -> memref<1x128x16xf32, #tpu.memory_space<vmem>>
    %dma_wait3A_354 = tpu.memref_squeeze %dma_wait3A_353 : memref<1x128x16xf32, #tpu.memory_space<vmem>> -> memref<128x16xf32, #tpu.memory_space<vmem>>
    %dma_wait3A_355 = arith.constant 0 : i32
    %dma_wait3A_356 = tpu.memref_slice %arg5[%dma_wait3A_349, %dma_wait3A_355] : memref<20x128xi32, #tpu.memory_space<vmem>> -> memref<1x128xi32, #tpu.memory_space<vmem>>
    %dma_wait3A_357 = tpu.memref_squeeze %dma_wait3A_356 : memref<1x128xi32, #tpu.memory_space<vmem>> -> memref<128xi32, #tpu.memory_space<vmem>>
    %dma_wait3A_358 = arith.constant 0 : i32
    %dma_wait3A_359 = arith.constant 0 : i32
    %dma_wait3A_360 = tpu.memref_slice %arg3[%dma_wait3A_358, %dma_wait3A_359] : memref<1002x16xf32, #tpu.memory_space<hbm>> -> memref<1002x16xf32, #tpu.memory_space<hbm>>
    tpu.wait_indirect_dma semaphore(%arg8 : memref<!tpu.dma_semaphore, #tpu.memory_space<semaphore_mem>>) src(%dma_wait3A_360 : memref<1002x16xf32, #tpu.memory_space<hbm>>) dst(%dma_wait3A_354 : memref<128x16xf32, #tpu.memory_space<vmem>>)
    %dma_wait3A_361 = arith.constant 10 : i32
    %dma_wait3A_362 = arith.constant 10 : i32
    %dma_wait3A_363 = arith.constant 0 : i32
    %dma_wait3A_364 = arith.constant 0 : i32
    %dma_wait3A_365 = tpu.memref_slice %arg6[%dma_wait3A_362, %dma_wait3A_363, %dma_wait3A_364] : memref<20x128x16xf32, #tpu.memory_space<vmem>> -> memref<1x128x16xf32, #tpu.memory_space<vmem>>
    %dma_wait3A_366 = tpu.memref_squeeze %dma_wait3A_365 : memref<1x128x16xf32, #tpu.memory_space<vmem>> -> memref<128x16xf32, #tpu.memory_space<vmem>>
    %dma_wait3A_367 = arith.constant 0 : i32
    %dma_wait3A_368 = tpu.memref_slice %arg5[%dma_wait3A_361, %dma_wait3A_367] : memref<20x128xi32, #tpu.memory_space<vmem>> -> memref<1x128xi32, #tpu.memory_space<vmem>>
    %dma_wait3A_369 = tpu.memref_squeeze %dma_wait3A_368 : memref<1x128xi32, #tpu.memory_space<vmem>> -> memref<128xi32, #tpu.memory_space<vmem>>
    %dma_wait3A_370 = arith.constant 0 : i32
    %dma_wait3A_371 = arith.constant 0 : i32
    %dma_wait3A_372 = tpu.memref_slice %arg3[%dma_wait3A_370, %dma_wait3A_371] : memref<1002x16xf32, #tpu.memory_space<hbm>> -> memref<1002x16xf32, #tpu.memory_space<hbm>>
    tpu.wait_indirect_dma semaphore(%arg8 : memref<!tpu.dma_semaphore, #tpu.memory_space<semaphore_mem>>) src(%dma_wait3A_372 : memref<1002x16xf32, #tpu.memory_space<hbm>>) dst(%dma_wait3A_366 : memref<128x16xf32, #tpu.memory_space<vmem>>)
    %dma_wait3A_373 = arith.constant 11 : i32
    %dma_wait3A_374 = arith.constant 11 : i32
    %dma_wait3A_375 = arith.constant 0 : i32
    %dma_wait3A_376 = arith.constant 0 : i32
    %dma_wait3A_377 = tpu.memref_slice %arg6[%dma_wait3A_374, %dma_wait3A_375, %dma_wait3A_376] : memref<20x128x16xf32, #tpu.memory_space<vmem>> -> memref<1x128x16xf32, #tpu.memory_space<vmem>>
    %dma_wait3A_378 = tpu.memref_squeeze %dma_wait3A_377 : memref<1x128x16xf32, #tpu.memory_space<vmem>> -> memref<128x16xf32, #tpu.memory_space<vmem>>
    %dma_wait3A_379 = arith.constant 0 : i32
    %dma_wait3A_380 = tpu.memref_slice %arg5[%dma_wait3A_373, %dma_wait3A_379] : memref<20x128xi32, #tpu.memory_space<vmem>> -> memref<1x128xi32, #tpu.memory_space<vmem>>
    %dma_wait3A_381 = tpu.memref_squeeze %dma_wait3A_380 : memref<1x128xi32, #tpu.memory_space<vmem>> -> memref<128xi32, #tpu.memory_space<vmem>>
    %dma_wait3A_382 = arith.constant 0 : i32
    %dma_wait3A_383 = arith.constant 0 : i32
    %dma_wait3A_384 = tpu.memref_slice %arg3[%dma_wait3A_382, %dma_wait3A_383] : memref<1002x16xf32, #tpu.memory_space<hbm>> -> memref<1002x16xf32, #tpu.memory_space<hbm>>
    tpu.wait_indirect_dma semaphore(%arg8 : memref<!tpu.dma_semaphore, #tpu.memory_space<semaphore_mem>>) src(%dma_wait3A_384 : memref<1002x16xf32, #tpu.memory_space<hbm>>) dst(%dma_wait3A_378 : memref<128x16xf32, #tpu.memory_space<vmem>>)
    %dma_wait3A_385 = arith.constant 12 : i32
    %dma_wait3A_386 = arith.constant 12 : i32
    %dma_wait3A_387 = arith.constant 0 : i32
    %dma_wait3A_388 = arith.constant 0 : i32
    %dma_wait3A_389 = tpu.memref_slice %arg6[%dma_wait3A_386, %dma_wait3A_387, %dma_wait3A_388] : memref<20x128x16xf32, #tpu.memory_space<vmem>> -> memref<1x128x16xf32, #tpu.memory_space<vmem>>
    %dma_wait3A_390 = tpu.memref_squeeze %dma_wait3A_389 : memref<1x128x16xf32, #tpu.memory_space<vmem>> -> memref<128x16xf32, #tpu.memory_space<vmem>>
    %dma_wait3A_391 = arith.constant 0 : i32
    %dma_wait3A_392 = tpu.memref_slice %arg5[%dma_wait3A_385, %dma_wait3A_391] : memref<20x128xi32, #tpu.memory_space<vmem>> -> memref<1x128xi32, #tpu.memory_space<vmem>>
    %dma_wait3A_393 = tpu.memref_squeeze %dma_wait3A_392 : memref<1x128xi32, #tpu.memory_space<vmem>> -> memref<128xi32, #tpu.memory_space<vmem>>
    %dma_wait3A_394 = arith.constant 0 : i32
    %dma_wait3A_395 = arith.constant 0 : i32
    %dma_wait3A_396 = tpu.memref_slice %arg3[%dma_wait3A_394, %dma_wait3A_395] : memref<1002x16xf32, #tpu.memory_space<hbm>> -> memref<1002x16xf32, #tpu.memory_space<hbm>>
    tpu.wait_indirect_dma semaphore(%arg8 : memref<!tpu.dma_semaphore, #tpu.memory_space<semaphore_mem>>) src(%dma_wait3A_396 : memref<1002x16xf32, #tpu.memory_space<hbm>>) dst(%dma_wait3A_390 : memref<128x16xf32, #tpu.memory_space<vmem>>)
    %dma_wait3A_397 = arith.constant 13 : i32
    %dma_wait3A_398 = arith.constant 13 : i32
    %dma_wait3A_399 = arith.constant 0 : i32
    %dma_wait3A_400 = arith.constant 0 : i32
    %dma_wait3A_401 = tpu.memref_slice %arg6[%dma_wait3A_398, %dma_wait3A_399, %dma_wait3A_400] : memref<20x128x16xf32, #tpu.memory_space<vmem>> -> memref<1x128x16xf32, #tpu.memory_space<vmem>>
    %dma_wait3A_402 = tpu.memref_squeeze %dma_wait3A_401 : memref<1x128x16xf32, #tpu.memory_space<vmem>> -> memref<128x16xf32, #tpu.memory_space<vmem>>
    %dma_wait3A_403 = arith.constant 0 : i32
    %dma_wait3A_404 = tpu.memref_slice %arg5[%dma_wait3A_397, %dma_wait3A_403] : memref<20x128xi32, #tpu.memory_space<vmem>> -> memref<1x128xi32, #tpu.memory_space<vmem>>
    %dma_wait3A_405 = tpu.memref_squeeze %dma_wait3A_404 : memref<1x128xi32, #tpu.memory_space<vmem>> -> memref<128xi32, #tpu.memory_space<vmem>>
    %dma_wait3A_406 = arith.constant 0 : i32
    %dma_wait3A_407 = arith.constant 0 : i32
    %dma_wait3A_408 = tpu.memref_slice %arg3[%dma_wait3A_406, %dma_wait3A_407] : memref<1002x16xf32, #tpu.memory_space<hbm>> -> memref<1002x16xf32, #tpu.memory_space<hbm>>
    tpu.wait_indirect_dma semaphore(%arg8 : memref<!tpu.dma_semaphore, #tpu.memory_space<semaphore_mem>>) src(%dma_wait3A_408 : memref<1002x16xf32, #tpu.memory_space<hbm>>) dst(%dma_wait3A_402 : memref<128x16xf32, #tpu.memory_space<vmem>>)
    %dma_wait3A_409 = arith.constant 14 : i32
    %dma_wait3A_410 = arith.constant 14 : i32
    %dma_wait3A_411 = arith.constant 0 : i32
    %dma_wait3A_412 = arith.constant 0 : i32
    %dma_wait3A_413 = tpu.memref_slice %arg6[%dma_wait3A_410, %dma_wait3A_411, %dma_wait3A_412] : memref<20x128x16xf32, #tpu.memory_space<vmem>> -> memref<1x128x16xf32, #tpu.memory_space<vmem>>
    %dma_wait3A_414 = tpu.memref_squeeze %dma_wait3A_413 : memref<1x128x16xf32, #tpu.memory_space<vmem>> -> memref<128x16xf32, #tpu.memory_space<vmem>>
    %dma_wait3A_415 = arith.constant 0 : i32
    %dma_wait3A_416 = tpu.memref_slice %arg5[%dma_wait3A_409, %dma_wait3A_415] : memref<20x128xi32, #tpu.memory_space<vmem>> -> memref<1x128xi32, #tpu.memory_space<vmem>>
    %dma_wait3A_417 = tpu.memref_squeeze %dma_wait3A_416 : memref<1x128xi32, #tpu.memory_space<vmem>> -> memref<128xi32, #tpu.memory_space<vmem>>
    %dma_wait3A_418 = arith.constant 0 : i32
    %dma_wait3A_419 = arith.constant 0 : i32
    %dma_wait3A_420 = tpu.memref_slice %arg3[%dma_wait3A_418, %dma_wait3A_419] : memref<1002x16xf32, #tpu.memory_space<hbm>> -> memref<1002x16xf32, #tpu.memory_space<hbm>>
    tpu.wait_indirect_dma semaphore(%arg8 : memref<!tpu.dma_semaphore, #tpu.memory_space<semaphore_mem>>) src(%dma_wait3A_420 : memref<1002x16xf32, #tpu.memory_space<hbm>>) dst(%dma_wait3A_414 : memref<128x16xf32, #tpu.memory_space<vmem>>)
    %dma_wait3A_421 = arith.constant 15 : i32
    %dma_wait3A_422 = arith.constant 15 : i32
    %dma_wait3A_423 = arith.constant 0 : i32
    %dma_wait3A_424 = arith.constant 0 : i32
    %dma_wait3A_425 = tpu.memref_slice %arg6[%dma_wait3A_422, %dma_wait3A_423, %dma_wait3A_424] : memref<20x128x16xf32, #tpu.memory_space<vmem>> -> memref<1x128x16xf32, #tpu.memory_space<vmem>>
    %dma_wait3A_426 = tpu.memref_squeeze %dma_wait3A_425 : memref<1x128x16xf32, #tpu.memory_space<vmem>> -> memref<128x16xf32, #tpu.memory_space<vmem>>
    %dma_wait3A_427 = arith.constant 0 : i32
    %dma_wait3A_428 = tpu.memref_slice %arg5[%dma_wait3A_421, %dma_wait3A_427] : memref<20x128xi32, #tpu.memory_space<vmem>> -> memref<1x128xi32, #tpu.memory_space<vmem>>
    %dma_wait3A_429 = tpu.memref_squeeze %dma_wait3A_428 : memref<1x128xi32, #tpu.memory_space<vmem>> -> memref<128xi32, #tpu.memory_space<vmem>>
    %dma_wait3A_430 = arith.constant 0 : i32
    %dma_wait3A_431 = arith.constant 0 : i32
    %dma_wait3A_432 = tpu.memref_slice %arg3[%dma_wait3A_430, %dma_wait3A_431] : memref<1002x16xf32, #tpu.memory_space<hbm>> -> memref<1002x16xf32, #tpu.memory_space<hbm>>
    tpu.wait_indirect_dma semaphore(%arg8 : memref<!tpu.dma_semaphore, #tpu.memory_space<semaphore_mem>>) src(%dma_wait3A_432 : memref<1002x16xf32, #tpu.memory_space<hbm>>) dst(%dma_wait3A_426 : memref<128x16xf32, #tpu.memory_space<vmem>>)
    %dma_wait3A_433 = arith.constant 16 : i32
    %dma_wait3A_434 = arith.constant 16 : i32
    %dma_wait3A_435 = arith.constant 0 : i32
    %dma_wait3A_436 = arith.constant 0 : i32
    %dma_wait3A_437 = tpu.memref_slice %arg6[%dma_wait3A_434, %dma_wait3A_435, %dma_wait3A_436] : memref<20x128x16xf32, #tpu.memory_space<vmem>> -> memref<1x128x16xf32, #tpu.memory_space<vmem>>
    %dma_wait3A_438 = tpu.memref_squeeze %dma_wait3A_437 : memref<1x128x16xf32, #tpu.memory_space<vmem>> -> memref<128x16xf32, #tpu.memory_space<vmem>>
    %dma_wait3A_439 = arith.constant 0 : i32
    %dma_wait3A_440 = tpu.memref_slice %arg5[%dma_wait3A_433, %dma_wait3A_439] : memref<20x128xi32, #tpu.memory_space<vmem>> -> memref<1x128xi32, #tpu.memory_space<vmem>>
    %dma_wait3A_441 = tpu.memref_squeeze %dma_wait3A_440 : memref<1x128xi32, #tpu.memory_space<vmem>> -> memref<128xi32, #tpu.memory_space<vmem>>
    %dma_wait3A_442 = arith.constant 0 : i32
    %dma_wait3A_443 = arith.constant 0 : i32
    %dma_wait3A_444 = tpu.memref_slice %arg3[%dma_wait3A_442, %dma_wait3A_443] : memref<1002x16xf32, #tpu.memory_space<hbm>> -> memref<1002x16xf32, #tpu.memory_space<hbm>>
    tpu.wait_indirect_dma semaphore(%arg8 : memref<!tpu.dma_semaphore, #tpu.memory_space<semaphore_mem>>) src(%dma_wait3A_444 : memref<1002x16xf32, #tpu.memory_space<hbm>>) dst(%dma_wait3A_438 : memref<128x16xf32, #tpu.memory_space<vmem>>)
    %dma_wait3A_445 = arith.constant 17 : i32
    %dma_wait3A_446 = arith.constant 17 : i32
    %dma_wait3A_447 = arith.constant 0 : i32
    %dma_wait3A_448 = arith.constant 0 : i32
    %dma_wait3A_449 = tpu.memref_slice %arg6[%dma_wait3A_446, %dma_wait3A_447, %dma_wait3A_448] : memref<20x128x16xf32, #tpu.memory_space<vmem>> -> memref<1x128x16xf32, #tpu.memory_space<vmem>>
    %dma_wait3A_450 = tpu.memref_squeeze %dma_wait3A_449 : memref<1x128x16xf32, #tpu.memory_space<vmem>> -> memref<128x16xf32, #tpu.memory_space<vmem>>
    %dma_wait3A_451 = arith.constant 0 : i32
    %dma_wait3A_452 = tpu.memref_slice %arg5[%dma_wait3A_445, %dma_wait3A_451] : memref<20x128xi32, #tpu.memory_space<vmem>> -> memref<1x128xi32, #tpu.memory_space<vmem>>
    %dma_wait3A_453 = tpu.memref_squeeze %dma_wait3A_452 : memref<1x128xi32, #tpu.memory_space<vmem>> -> memref<128xi32, #tpu.memory_space<vmem>>
    %dma_wait3A_454 = arith.constant 0 : i32
    %dma_wait3A_455 = arith.constant 0 : i32
    %dma_wait3A_456 = tpu.memref_slice %arg3[%dma_wait3A_454, %dma_wait3A_455] : memref<1002x16xf32, #tpu.memory_space<hbm>> -> memref<1002x16xf32, #tpu.memory_space<hbm>>
    tpu.wait_indirect_dma semaphore(%arg8 : memref<!tpu.dma_semaphore, #tpu.memory_space<semaphore_mem>>) src(%dma_wait3A_456 : memref<1002x16xf32, #tpu.memory_space<hbm>>) dst(%dma_wait3A_450 : memref<128x16xf32, #tpu.memory_space<vmem>>)
    %dma_wait3A_457 = arith.constant 18 : i32
    %dma_wait3A_458 = arith.constant 18 : i32
    %dma_wait3A_459 = arith.constant 0 : i32
    %dma_wait3A_460 = arith.constant 0 : i32
    %dma_wait3A_461 = tpu.memref_slice %arg6[%dma_wait3A_458, %dma_wait3A_459, %dma_wait3A_460] : memref<20x128x16xf32, #tpu.memory_space<vmem>> -> memref<1x128x16xf32, #tpu.memory_space<vmem>>
    %dma_wait3A_462 = tpu.memref_squeeze %dma_wait3A_461 : memref<1x128x16xf32, #tpu.memory_space<vmem>> -> memref<128x16xf32, #tpu.memory_space<vmem>>
    %dma_wait3A_463 = arith.constant 0 : i32
    %dma_wait3A_464 = tpu.memref_slice %arg5[%dma_wait3A_457, %dma_wait3A_463] : memref<20x128xi32, #tpu.memory_space<vmem>> -> memref<1x128xi32, #tpu.memory_space<vmem>>
    %dma_wait3A_465 = tpu.memref_squeeze %dma_wait3A_464 : memref<1x128xi32, #tpu.memory_space<vmem>> -> memref<128xi32, #tpu.memory_space<vmem>>
    %dma_wait3A_466 = arith.constant 0 : i32
    %dma_wait3A_467 = arith.constant 0 : i32
    %dma_wait3A_468 = tpu.memref_slice %arg3[%dma_wait3A_466, %dma_wait3A_467] : memref<1002x16xf32, #tpu.memory_space<hbm>> -> memref<1002x16xf32, #tpu.memory_space<hbm>>
    tpu.wait_indirect_dma semaphore(%arg8 : memref<!tpu.dma_semaphore, #tpu.memory_space<semaphore_mem>>) src(%dma_wait3A_468 : memref<1002x16xf32, #tpu.memory_space<hbm>>) dst(%dma_wait3A_462 : memref<128x16xf32, #tpu.memory_space<vmem>>)
    %dma_wait3A_469 = arith.constant 19 : i32
    %dma_wait3A_470 = arith.constant 19 : i32
    %dma_wait3A_471 = arith.constant 0 : i32
    %dma_wait3A_472 = arith.constant 0 : i32
    %dma_wait3A_473 = tpu.memref_slice %arg6[%dma_wait3A_470, %dma_wait3A_471, %dma_wait3A_472] : memref<20x128x16xf32, #tpu.memory_space<vmem>> -> memref<1x128x16xf32, #tpu.memory_space<vmem>>
    %dma_wait3A_474 = tpu.memref_squeeze %dma_wait3A_473 : memref<1x128x16xf32, #tpu.memory_space<vmem>> -> memref<128x16xf32, #tpu.memory_space<vmem>>
    %dma_wait3A_475 = arith.constant 0 : i32
    %dma_wait3A_476 = tpu.memref_slice %arg5[%dma_wait3A_469, %dma_wait3A_475] : memref<20x128xi32, #tpu.memory_space<vmem>> -> memref<1x128xi32, #tpu.memory_space<vmem>>
    %dma_wait3A_477 = tpu.memref_squeeze %dma_wait3A_476 : memref<1x128xi32, #tpu.memory_space<vmem>> -> memref<128xi32, #tpu.memory_space<vmem>>
    %dma_wait3A_478 = arith.constant 0 : i32
    %dma_wait3A_479 = arith.constant 0 : i32
    %dma_wait3A_480 = tpu.memref_slice %arg3[%dma_wait3A_478, %dma_wait3A_479] : memref<1002x16xf32, #tpu.memory_space<hbm>> -> memref<1002x16xf32, #tpu.memory_space<hbm>>
    tpu.wait_indirect_dma semaphore(%arg8 : memref<!tpu.dma_semaphore, #tpu.memory_space<semaphore_mem>>) src(%dma_wait3A_480 : memref<1002x16xf32, #tpu.memory_space<hbm>>) dst(%dma_wait3A_474 : memref<128x16xf32, #tpu.memory_space<vmem>>)
    %scan3A = arith.constant 0 : i32
    %scan3A_481 = arith.constant 0 : i32
    %scan3A_482 = arith.constant 128 : i32
    %scan3A_483 = arith.addi %scan3A_481, %scan3A_482 : i32
    %scan3A_484 = arith.constant 1 : i32
    scf.for %scan3A_486 = %scan3A_481 to %scan3A_483 step %scan3A_484  : i32 {
      %get3A = arith.constant 0 : i32
      %get3A_487 = arith.index_cast %get3A : i32 to index
      %get3A_488 = arith.index_cast %scan3A_486 : i32 to index
      %get3A_489 = arith.constant 0 : index
      %get3A_490 = tpu.vector_load %arg6[%get3A_487, %get3A_488, %get3A_489] {strides = array<i32>} : memref<20x128x16xf32, #tpu.memory_space<vmem>>, vector<1x1x16xf32>,
      %get3A_491 = vector.shape_cast %get3A_490 : vector<1x1x16xf32> to vector<16xf32>
      %get3A_492 = arith.constant 1 : i32
      %get3A_493 = arith.index_cast %get3A_492 : i32 to index
      %get3A_494 = arith.index_cast %scan3A_486 : i32 to index
      %get3A_495 = arith.constant 0 : index
      %get3A_496 = tpu.vector_load %arg6[%get3A_493, %get3A_494, %get3A_495] {strides = array<i32>} : memref<20x128x16xf32, #tpu.memory_space<vmem>>, vector<1x1x16xf32>,
      %get3A_497 = vector.shape_cast %get3A_496 : vector<1x1x16xf32> to vector<16xf32>
      %add3A_498 = arith.addf %get3A_491, %get3A_497 : vector<16xf32>
      %get3A_499 = arith.constant 2 : i32
      %get3A_500 = arith.index_cast %get3A_499 : i32 to index
      %get3A_501 = arith.index_cast %scan3A_486 : i32 to index
      %get3A_502 = arith.constant 0 : index
      %get3A_503 = tpu.vector_load %arg6[%get3A_500, %get3A_501, %get3A_502] {strides = array<i32>} : memref<20x128x16xf32, #tpu.memory_space<vmem>>, vector<1x1x16xf32>,
      %get3A_504 = vector.shape_cast %get3A_503 : vector<1x1x16xf32> to vector<16xf32>
      %add3A_505 = arith.addf %add3A_498, %get3A_504 : vector<16xf32>
      %get3A_506 = arith.constant 3 : i32
      %get3A_507 = arith.index_cast %get3A_506 : i32 to index
      %get3A_508 = arith.index_cast %scan3A_486 : i32 to index
      %get3A_509 = arith.constant 0 : index
      %get3A_510 = tpu.vector_load %arg6[%get3A_507, %get3A_508, %get3A_509] {strides = array<i32>} : memref<20x128x16xf32, #tpu.memory_space<vmem>>, vector<1x1x16xf32>,
      %get3A_511 = vector.shape_cast %get3A_510 : vector<1x1x16xf32> to vector<16xf32>
      %add3A_512 = arith.addf %add3A_505, %get3A_511 : vector<16xf32>
      %get3A_513 = arith.constant 4 : i32
      %get3A_514 = arith.index_cast %get3A_513 : i32 to index
      %get3A_515 = arith.index_cast %scan3A_486 : i32 to index
      %get3A_516 = arith.constant 0 : index
      %get3A_517 = tpu.vector_load %arg6[%get3A_514, %get3A_515, %get3A_516] {strides = array<i32>} : memref<20x128x16xf32, #tpu.memory_space<vmem>>, vector<1x1x16xf32>,
      %get3A_518 = vector.shape_cast %get3A_517 : vector<1x1x16xf32> to vector<16xf32>
      %add3A_519 = arith.addf %add3A_512, %get3A_518 : vector<16xf32>
      %get3A_520 = arith.constant 5 : i32
      %get3A_521 = arith.index_cast %get3A_520 : i32 to index
      %get3A_522 = arith.index_cast %scan3A_486 : i32 to index
      %get3A_523 = arith.constant 0 : index
      %get3A_524 = tpu.vector_load %arg6[%get3A_521, %get3A_522, %get3A_523] {strides = array<i32>} : memref<20x128x16xf32, #tpu.memory_space<vmem>>, vector<1x1x16xf32>,
      %get3A_525 = vector.shape_cast %get3A_524 : vector<1x1x16xf32> to vector<16xf32>
      %add3A_526 = arith.addf %add3A_519, %get3A_525 : vector<16xf32>
      %get3A_527 = arith.constant 6 : i32
      %get3A_528 = arith.index_cast %get3A_527 : i32 to index
      %get3A_529 = arith.index_cast %scan3A_486 : i32 to index
      %get3A_530 = arith.constant 0 : index
      %get3A_531 = tpu.vector_load %arg6[%get3A_528, %get3A_529, %get3A_530] {strides = array<i32>} : memref<20x128x16xf32, #tpu.memory_space<vmem>>, vector<1x1x16xf32>,
      %get3A_532 = vector.shape_cast %get3A_531 : vector<1x1x16xf32> to vector<16xf32>
      %add3A_533 = arith.addf %add3A_526, %get3A_532 : vector<16xf32>
      %get3A_534 = arith.constant 7 : i32
      %get3A_535 = arith.index_cast %get3A_534 : i32 to index
      %get3A_536 = arith.index_cast %scan3A_486 : i32 to index
      %get3A_537 = arith.constant 0 : index
      %get3A_538 = tpu.vector_load %arg6[%get3A_535, %get3A_536, %get3A_537] {strides = array<i32>} : memref<20x128x16xf32, #tpu.memory_space<vmem>>, vector<1x1x16xf32>,
      %get3A_539 = vector.shape_cast %get3A_538 : vector<1x1x16xf32> to vector<16xf32>
      %add3A_540 = arith.addf %add3A_533, %get3A_539 : vector<16xf32>
      %get3A_541 = arith.constant 8 : i32
      %get3A_542 = arith.index_cast %get3A_541 : i32 to index
      %get3A_543 = arith.index_cast %scan3A_486 : i32 to index
      %get3A_544 = arith.constant 0 : index
      %get3A_545 = tpu.vector_load %arg6[%get3A_542, %get3A_543, %get3A_544] {strides = array<i32>} : memref<20x128x16xf32, #tpu.memory_space<vmem>>, vector<1x1x16xf32>,
      %get3A_546 = vector.shape_cast %get3A_545 : vector<1x1x16xf32> to vector<16xf32>
      %add3A_547 = arith.addf %add3A_540, %get3A_546 : vector<16xf32>
      %get3A_548 = arith.constant 9 : i32
      %get3A_549 = arith.index_cast %get3A_548 : i32 to index
      %get3A_550 = arith.index_cast %scan3A_486 : i32 to index
      %get3A_551 = arith.constant 0 : index
      %get3A_552 = tpu.vector_load %arg6[%get3A_549, %get3A_550, %get3A_551] {strides = array<i32>} : memref<20x128x16xf32, #tpu.memory_space<vmem>>, vector<1x1x16xf32>,
      %get3A_553 = vector.shape_cast %get3A_552 : vector<1x1x16xf32> to vector<16xf32>
      %add3A_554 = arith.addf %add3A_547, %get3A_553 : vector<16xf32>
      %get3A_555 = arith.constant 10 : i32
      %get3A_556 = arith.index_cast %get3A_555 : i32 to index
      %get3A_557 = arith.index_cast %scan3A_486 : i32 to index
      %get3A_558 = arith.constant 0 : index
      %get3A_559 = tpu.vector_load %arg6[%get3A_556, %get3A_557, %get3A_558] {strides = array<i32>} : memref<20x128x16xf32, #tpu.memory_space<vmem>>, vector<1x1x16xf32>,
      %get3A_560 = vector.shape_cast %get3A_559 : vector<1x1x16xf32> to vector<16xf32>
      %add3A_561 = arith.addf %add3A_554, %get3A_560 : vector<16xf32>
      %get3A_562 = arith.constant 11 : i32
      %get3A_563 = arith.index_cast %get3A_562 : i32 to index
      %get3A_564 = arith.index_cast %scan3A_486 : i32 to index
      %get3A_565 = arith.constant 0 : index
      %get3A_566 = tpu.vector_load %arg6[%get3A_563, %get3A_564, %get3A_565] {strides = array<i32>} : memref<20x128x16xf32, #tpu.memory_space<vmem>>, vector<1x1x16xf32>,
      %get3A_567 = vector.shape_cast %get3A_566 : vector<1x1x16xf32> to vector<16xf32>
      %add3A_568 = arith.addf %add3A_561, %get3A_567 : vector<16xf32>
      %get3A_569 = arith.constant 12 : i32
      %get3A_570 = arith.index_cast %get3A_569 : i32 to index
      %get3A_571 = arith.index_cast %scan3A_486 : i32 to index
      %get3A_572 = arith.constant 0 : index
      %get3A_573 = tpu.vector_load %arg6[%get3A_570, %get3A_571, %get3A_572] {strides = array<i32>} : memref<20x128x16xf32, #tpu.memory_space<vmem>>, vector<1x1x16xf32>,
      %get3A_574 = vector.shape_cast %get3A_573 : vector<1x1x16xf32> to vector<16xf32>
      %add3A_575 = arith.addf %add3A_568, %get3A_574 : vector<16xf32>
      %get3A_576 = arith.constant 13 : i32
      %get3A_577 = arith.index_cast %get3A_576 : i32 to index
      %get3A_578 = arith.index_cast %scan3A_486 : i32 to index
      %get3A_579 = arith.constant 0 : index
      %get3A_580 = tpu.vector_load %arg6[%get3A_577, %get3A_578, %get3A_579] {strides = array<i32>} : memref<20x128x16xf32, #tpu.memory_space<vmem>>, vector<1x1x16xf32>,
      %get3A_581 = vector.shape_cast %get3A_580 : vector<1x1x16xf32> to vector<16xf32>
      %add3A_582 = arith.addf %add3A_575, %get3A_581 : vector<16xf32>
      %get3A_583 = arith.constant 14 : i32
      %get3A_584 = arith.index_cast %get3A_583 : i32 to index
      %get3A_585 = arith.index_cast %scan3A_486 : i32 to index
      %get3A_586 = arith.constant 0 : index
      %get3A_587 = tpu.vector_load %arg6[%get3A_584, %get3A_585, %get3A_586] {strides = array<i32>} : memref<20x128x16xf32, #tpu.memory_space<vmem>>, vector<1x1x16xf32>,
      %get3A_588 = vector.shape_cast %get3A_587 : vector<1x1x16xf32> to vector<16xf32>
      %add3A_589 = arith.addf %add3A_582, %get3A_588 : vector<16xf32>
      %get3A_590 = arith.constant 15 : i32
      %get3A_591 = arith.index_cast %get3A_590 : i32 to index
      %get3A_592 = arith.index_cast %scan3A_486 : i32 to index
      %get3A_593 = arith.constant 0 : index
      %get3A_594 = tpu.vector_load %arg6[%get3A_591, %get3A_592, %get3A_593] {strides = array<i32>} : memref<20x128x16xf32, #tpu.memory_space<vmem>>, vector<1x1x16xf32>,
      %get3A_595 = vector.shape_cast %get3A_594 : vector<1x1x16xf32> to vector<16xf32>
      %add3A_596 = arith.addf %add3A_589, %get3A_595 : vector<16xf32>
      %get3A_597 = arith.constant 16 : i32
      %get3A_598 = arith.index_cast %get3A_597 : i32 to index
      %get3A_599 = arith.index_cast %scan3A_486 : i32 to index
      %get3A_600 = arith.constant 0 : index
      %get3A_601 = tpu.vector_load %arg6[%get3A_598, %get3A_599, %get3A_600] {strides = array<i32>} : memref<20x128x16xf32, #tpu.memory_space<vmem>>, vector<1x1x16xf32>,
      %get3A_602 = vector.shape_cast %get3A_601 : vector<1x1x16xf32> to vector<16xf32>
      %add3A_603 = arith.addf %add3A_596, %get3A_602 : vector<16xf32>
      %get3A_604 = arith.constant 17 : i32
      %get3A_605 = arith.index_cast %get3A_604 : i32 to index
      %get3A_606 = arith.index_cast %scan3A_486 : i32 to index
      %get3A_607 = arith.constant 0 : index
      %get3A_608 = tpu.vector_load %arg6[%get3A_605, %get3A_606, %get3A_607] {strides = array<i32>} : memref<20x128x16xf32, #tpu.memory_space<vmem>>, vector<1x1x16xf32>,
      %get3A_609 = vector.shape_cast %get3A_608 : vector<1x1x16xf32> to vector<16xf32>
      %add3A_610 = arith.addf %add3A_603, %get3A_609 : vector<16xf32>
      %get3A_611 = arith.constant 18 : i32
      %get3A_612 = arith.index_cast %get3A_611 : i32 to index
      %get3A_613 = arith.index_cast %scan3A_486 : i32 to index
      %get3A_614 = arith.constant 0 : index
      %get3A_615 = tpu.vector_load %arg6[%get3A_612, %get3A_613, %get3A_614] {strides = array<i32>} : memref<20x128x16xf32, #tpu.memory_space<vmem>>, vector<1x1x16xf32>,
      %get3A_616 = vector.shape_cast %get3A_615 : vector<1x1x16xf32> to vector<16xf32>
      %add3A_617 = arith.addf %add3A_610, %get3A_616 : vector<16xf32>
      %get3A_618 = arith.constant 19 : i32
      %get3A_619 = arith.index_cast %get3A_618 : i32 to index
      %get3A_620 = arith.index_cast %scan3A_486 : i32 to index
      %get3A_621 = arith.constant 0 : index
      %get3A_622 = tpu.vector_load %arg6[%get3A_619, %get3A_620, %get3A_621] {strides = array<i32>} : memref<20x128x16xf32, #tpu.memory_space<vmem>>, vector<1x1x16xf32>,
      %get3A_623 = vector.shape_cast %get3A_622 : vector<1x1x16xf32> to vector<16xf32>
      %add3A_624 = arith.addf %add3A_617, %get3A_623 : vector<16xf32>
      %swap3A = arith.index_cast %scan3A_486 : i32 to index
      %swap3A_625 = arith.constant 0 : index
      %swap3A_626 = tpu.vector_load %arg7[%swap3A, %swap3A_625] {strides = array<i32>} : memref<128x16xf32, #tpu.memory_space<vmem>>, vector<1x16xf32>,
      %swap3A_627 = vector.shape_cast %swap3A_626 : vector<1x16xf32> to vector<16xf32>
      %swap3A_628 = vector.shape_cast %add3A_624 : vector<16xf32> to vector<1x16xf32>
      tpu.vector_store %arg7[%swap3A, %swap3A_625], %swap3A_628 {strides = array<i32>} : memref<128x16xf32, #tpu.memory_space<vmem>>, vector<1x16xf32>,
    }
    %scan3A_485 = arith.constant 128 : i32
    "tpu.region"() ({
      %run_scoped3A = tpu.sem_alloc : memref<!tpu.dma_semaphore, #tpu.memory_space<semaphore_mem>>
      %dma_start3A_486 = arith.constant 0 : i32
      %dma_start3A_487 = tpu.memref_slice %arg4[%mul3A_2, %dma_start3A_486] : memref<4096x16xf32, #tpu.memory_space<hbm>> -> memref<128x16xf32, #tpu.memory_space<hbm>>
      %dma_start3A_488 = arith.constant 0 : i32
      %dma_start3A_489 = tpu.memref_slice %arg4[%mul3A_2, %dma_start3A_488] : memref<4096x16xf32, #tpu.memory_space<hbm>> -> memref<128x16xf32, #tpu.memory_space<hbm>>
      tpu.enqueue_dma source(%arg7 : memref<128x16xf32, #tpu.memory_space<vmem>>) target(%dma_start3A_489 : memref<128x16xf32, #tpu.memory_space<hbm>>) target_semaphore(%run_scoped3A : memref<!tpu.dma_semaphore, #tpu.memory_space<semaphore_mem>>)
      %dma_wait3A_490 = arith.constant 0 : i32
      %dma_wait3A_491 = tpu.memref_slice %arg4[%mul3A_2, %dma_wait3A_490] : memref<4096x16xf32, #tpu.memory_space<hbm>> -> memref<128x16xf32, #tpu.memory_space<hbm>>
      %dma_wait3A_492 = arith.constant 0 : i32
      %dma_wait3A_493 = tpu.memref_slice %arg4[%mul3A_2, %dma_wait3A_492] : memref<4096x16xf32, #tpu.memory_space<hbm>> -> memref<128x16xf32, #tpu.memory_space<hbm>>
      tpu.wait_dma2 semaphore(%run_scoped3A : memref<!tpu.dma_semaphore, #tpu.memory_space<semaphore_mem>>) src(%arg7 : memref<128x16xf32, #tpu.memory_space<vmem>>) dst(%dma_wait3A_493 : memref<128x16xf32, #tpu.memory_space<hbm>>)
      tpu.yield
    }) : () -> ()
    return
  }
}

module attributes {stable_mosaic.version = 14 : i64} {
  func.func @_tc_body(%arg0: memref<4096xi32, #tpu.memory_space<smem>>, %arg1: memref<4096xi32, #tpu.memory_space<smem>>, %arg2: memref<1000001x64xf32, #tpu.memory_space<any>>, %arg3: memref<100001x64xf32, #tpu.memory_space<any>>, %arg4: memref<4096x16xf32, #tpu.memory_space<vmem>>, %arg5: memref<64x32xf32, #tpu.memory_space<vmem>>, %arg6: memref<1x32xf32, #tpu.memory_space<vmem>>, %arg7: memref<64x64xf32, #tpu.memory_space<vmem>>, %arg8: memref<16x64xf32, #tpu.memory_space<vmem>>, %arg9: memref<1x64xf32, #tpu.memory_space<vmem>>, %arg10: memref<64x32xf32, #tpu.memory_space<vmem>>, %arg11: memref<1x32xf32, #tpu.memory_space<vmem>>, %arg12: memref<4096x1xf32, #tpu.memory_space<vmem>>, %arg13: memref<4096x64xf32, #tpu.memory_space<vmem>>, %arg14: memref<4096x64xf32, #tpu.memory_space<vmem>>, %arg15: memref<!tpu.dma_semaphore, #tpu.memory_space<semaphore_mem>>, %arg16: memref<!tpu.dma_semaphore, #tpu.memory_space<semaphore_mem>>) attributes {dimension_semantics = [], scalar_prefetch = 0 : i64, scratch_operands = 4 : i64, tpu.core_type = #tpu.core_type<tc>} {
    %scan3A = arith.constant 0 : i32
    %scan3A_0 = arith.constant 4096 : i32
    %scan3A_1 = arith.addi %scan3A, %scan3A_0 : i32
    %scan3A_2 = arith.constant 1 : i32
    scf.for %scan3A_70 = %scan3A to %scan3A_1 step %scan3A_2  : i32 {
      %get3A_71 = arith.index_cast %scan3A_70 : i32 to index
      %get3A_72 = memref.load %arg0[%get3A_71] : memref<4096xi32, #tpu.memory_space<smem>>
      %dma_start3A = arith.constant 0 : i32
      %dma_start3A_73 = tpu.memref_slice %arg13[%scan3A_70, %dma_start3A] : memref<4096x64xf32, #tpu.memory_space<vmem>> -> memref<1x64xf32, #tpu.memory_space<vmem>>
      %dma_start3A_74 = arith.constant 0 : i32
      %dma_start3A_75 = tpu.memref_slice %arg2[%get3A_72, %dma_start3A_74] : memref<1000001x64xf32, #tpu.memory_space<any>> -> memref<1x64xf32, #tpu.memory_space<any>>
      tpu.enqueue_dma source(%dma_start3A_75 : memref<1x64xf32, #tpu.memory_space<any>>) target(%dma_start3A_73 : memref<1x64xf32, #tpu.memory_space<vmem>>) target_semaphore(%arg15 : memref<!tpu.dma_semaphore, #tpu.memory_space<semaphore_mem>>)
      %get3A_76 = arith.index_cast %scan3A_70 : i32 to index
      %get3A_77 = memref.load %arg1[%get3A_76] : memref<4096xi32, #tpu.memory_space<smem>>
      %dma_start3A_78 = arith.constant 0 : i32
      %dma_start3A_79 = tpu.memref_slice %arg14[%scan3A_70, %dma_start3A_78] : memref<4096x64xf32, #tpu.memory_space<vmem>> -> memref<1x64xf32, #tpu.memory_space<vmem>>
      %dma_start3A_80 = arith.constant 0 : i32
      %dma_start3A_81 = tpu.memref_slice %arg3[%get3A_77, %dma_start3A_80] : memref<100001x64xf32, #tpu.memory_space<any>> -> memref<1x64xf32, #tpu.memory_space<any>>
      tpu.enqueue_dma source(%dma_start3A_81 : memref<1x64xf32, #tpu.memory_space<any>>) target(%dma_start3A_79 : memref<1x64xf32, #tpu.memory_space<vmem>>) target_semaphore(%arg16 : memref<!tpu.dma_semaphore, #tpu.memory_space<semaphore_mem>>)
      %ge3A = arith.constant 128 : i32
      %ge3A_82 = arith.cmpi sge, %scan3A_70, %ge3A : i32
      %convert_element_type3A = arith.extui %ge3A_82 : i1 to i32
      %cond3A = arith.constant 0 : i32
      %cond3A_83 = arith.cmpi ne, %convert_element_type3A, %cond3A : i32
      scf.if %cond3A_83 {
        %dma_wait3A = arith.constant 0 : i32
        %dma_wait3A_84 = arith.constant 0 : i32
        %dma_wait3A_85 = tpu.memref_slice %arg13[%dma_wait3A, %dma_wait3A_84] : memref<4096x64xf32, #tpu.memory_space<vmem>> -> memref<1x64xf32, #tpu.memory_space<vmem>>
        %dma_wait3A_86 = arith.constant 0 : i32
        %dma_wait3A_87 = arith.constant 0 : i32
        %dma_wait3A_88 = tpu.memref_slice %arg2[%dma_wait3A_86, %dma_wait3A_87] : memref<1000001x64xf32, #tpu.memory_space<any>> -> memref<1x64xf32, #tpu.memory_space<any>>
        tpu.wait_dma2 semaphore(%arg15 : memref<!tpu.dma_semaphore, #tpu.memory_space<semaphore_mem>>) src(%dma_wait3A_88 : memref<1x64xf32, #tpu.memory_space<any>>) dst(%dma_wait3A_85 : memref<1x64xf32, #tpu.memory_space<vmem>>)
        %dma_wait3A_89 = arith.constant 0 : i32
        %dma_wait3A_90 = arith.constant 0 : i32
        %dma_wait3A_91 = tpu.memref_slice %arg14[%dma_wait3A_89, %dma_wait3A_90] : memref<4096x64xf32, #tpu.memory_space<vmem>> -> memref<1x64xf32, #tpu.memory_space<vmem>>
        %dma_wait3A_92 = arith.constant 0 : i32
        %dma_wait3A_93 = arith.constant 0 : i32
        %dma_wait3A_94 = tpu.memref_slice %arg3[%dma_wait3A_92, %dma_wait3A_93] : memref<100001x64xf32, #tpu.memory_space<any>> -> memref<1x64xf32, #tpu.memory_space<any>>
        tpu.wait_dma2 semaphore(%arg16 : memref<!tpu.dma_semaphore, #tpu.memory_space<semaphore_mem>>) src(%dma_wait3A_94 : memref<1x64xf32, #tpu.memory_space<any>>) dst(%dma_wait3A_91 : memref<1x64xf32, #tpu.memory_space<vmem>>)
      } else {
      }
    }
    %scan3A_3 = arith.constant 4096 : i32
    %scan3A_4 = arith.constant 0 : i32
    %scan3A_5 = arith.constant 128 : i32
    %scan3A_6 = arith.addi %scan3A_4, %scan3A_5 : i32
    %scan3A_7 = arith.constant 1 : i32
    scf.for %scan3A_70 = %scan3A_4 to %scan3A_6 step %scan3A_7  : i32 {
      %dma_wait3A = arith.constant 0 : i32
      %dma_wait3A_71 = arith.constant 0 : i32
      %dma_wait3A_72 = tpu.memref_slice %arg13[%dma_wait3A, %dma_wait3A_71] : memref<4096x64xf32, #tpu.memory_space<vmem>> -> memref<1x64xf32, #tpu.memory_space<vmem>>
      %dma_wait3A_73 = arith.constant 0 : i32
      %dma_wait3A_74 = arith.constant 0 : i32
      %dma_wait3A_75 = tpu.memref_slice %arg2[%dma_wait3A_73, %dma_wait3A_74] : memref<1000001x64xf32, #tpu.memory_space<any>> -> memref<1x64xf32, #tpu.memory_space<any>>
      tpu.wait_dma2 semaphore(%arg15 : memref<!tpu.dma_semaphore, #tpu.memory_space<semaphore_mem>>) src(%dma_wait3A_75 : memref<1x64xf32, #tpu.memory_space<any>>) dst(%dma_wait3A_72 : memref<1x64xf32, #tpu.memory_space<vmem>>)
      %dma_wait3A_76 = arith.constant 0 : i32
      %dma_wait3A_77 = arith.constant 0 : i32
      %dma_wait3A_78 = tpu.memref_slice %arg14[%dma_wait3A_76, %dma_wait3A_77] : memref<4096x64xf32, #tpu.memory_space<vmem>> -> memref<1x64xf32, #tpu.memory_space<vmem>>
      %dma_wait3A_79 = arith.constant 0 : i32
      %dma_wait3A_80 = arith.constant 0 : i32
      %dma_wait3A_81 = tpu.memref_slice %arg3[%dma_wait3A_79, %dma_wait3A_80] : memref<100001x64xf32, #tpu.memory_space<any>> -> memref<1x64xf32, #tpu.memory_space<any>>
      tpu.wait_dma2 semaphore(%arg16 : memref<!tpu.dma_semaphore, #tpu.memory_space<semaphore_mem>>) src(%dma_wait3A_81 : memref<1x64xf32, #tpu.memory_space<any>>) dst(%dma_wait3A_78 : memref<1x64xf32, #tpu.memory_space<vmem>>)
    }
    %get3A = arith.constant 0 : index
    %get3A_8 = arith.constant 0 : index
    %get3A_9 = vector.load %arg13[%get3A, %get3A_8] : memref<4096x64xf32, #tpu.memory_space<vmem>>, vector<4096x64xf32>
    %get3A_10 = arith.constant 0 : index
    %get3A_11 = arith.constant 0 : index
    %get3A_12 = vector.load %arg14[%get3A_10, %get3A_11] : memref<4096x64xf32, #tpu.memory_space<vmem>>, vector<4096x64xf32>
    %get3A_13 = arith.constant 0 : index
    %get3A_14 = arith.constant 0 : index
    %get3A_15 = vector.load %arg5[%get3A_13, %get3A_14] : memref<64x32xf32, #tpu.memory_space<vmem>>, vector<64x32xf32>
    %dot_general3A = arith.constant dense<0.000000e+00> : vector<4096x32xf32>
    %dot_general3A_16 = tpu.matmul %get3A_9, %get3A_15, %dot_general3A {dimension_numbers = #tpu.dot_dimension_numbers<[1], [0], [0], [1], [0, 0, 1, 1], [], []>, transpose_lhs_hint = false} : vector<4096x64xf32>, vector<64x32xf32>, vector<4096x32xf32> -> vector<4096x32xf32>
    %get3A_17 = arith.constant 0 : index
    %get3A_18 = arith.constant 0 : index
    %get3A_19 = vector.load %arg6[%get3A_17, %get3A_18] : memref<1x32xf32, #tpu.memory_space<vmem>>, vector<1x32xf32>
    %add3A = vector.broadcast %get3A_19 : vector<1x32xf32> to vector<4096x32xf32>
    %add3A_20 = arith.addf %dot_general3A_16, %add3A : vector<4096x32xf32>
    %max3A = arith.constant 0.000000e+00 : f32
    %max3A_21 = vector.broadcast %max3A : f32 to vector<4096x32xf32>
    %max3A_22 = arith.maximumf %add3A_20, %max3A_21 : vector<4096x32xf32>
    %get3A_23 = arith.constant 0 : index
    %get3A_24 = arith.constant 0 : index
    %get3A_25 = vector.load %arg7[%get3A_23, %get3A_24] : memref<64x64xf32, #tpu.memory_space<vmem>>, vector<64x64xf32>
    %dot_general3A_26 = arith.constant dense<0.000000e+00> : vector<4096x64xf32>
    %dot_general3A_27 = tpu.matmul %get3A_12, %get3A_25, %dot_general3A_26 {dimension_numbers = #tpu.dot_dimension_numbers<[1], [0], [0], [1], [0, 0, 1, 1], [], []>, transpose_lhs_hint = false} : vector<4096x64xf32>, vector<64x64xf32>, vector<4096x64xf32> -> vector<4096x64xf32>
    %get3A_28 = arith.constant 0 : index
    %get3A_29 = arith.constant 0 : index
    %get3A_30 = vector.load %arg4[%get3A_28, %get3A_29] : memref<4096x16xf32, #tpu.memory_space<vmem>>, vector<4096x16xf32>
    %get3A_31 = arith.constant 0 : index
    %get3A_32 = arith.constant 0 : index
    %get3A_33 = vector.load %arg8[%get3A_31, %get3A_32] : memref<16x64xf32, #tpu.memory_space<vmem>>, vector<16x64xf32>
    %dot_general3A_34 = arith.constant dense<0.000000e+00> : vector<4096x64xf32>
    %dot_general3A_35 = tpu.matmul %get3A_30, %get3A_33, %dot_general3A_34 {dimension_numbers = #tpu.dot_dimension_numbers<[1], [0], [0], [1], [0, 0, 1, 1], [], []>, transpose_lhs_hint = false} : vector<4096x16xf32>, vector<16x64xf32>, vector<4096x64xf32> -> vector<4096x64xf32>
    %add3A_36 = arith.addf %dot_general3A_27, %dot_general3A_35 : vector<4096x64xf32>
    %get3A_37 = arith.constant 0 : index
    %get3A_38 = arith.constant 0 : index
    %get3A_39 = vector.load %arg9[%get3A_37, %get3A_38] : memref<1x64xf32, #tpu.memory_space<vmem>>, vector<1x64xf32>
    %add3A_40 = vector.broadcast %get3A_39 : vector<1x64xf32> to vector<4096x64xf32>
    %add3A_41 = arith.addf %add3A_36, %add3A_40 : vector<4096x64xf32>
    %max3A_42 = arith.constant 0.000000e+00 : f32
    %max3A_43 = vector.broadcast %max3A_42 : f32 to vector<4096x64xf32>
    %max3A_44 = arith.maximumf %add3A_41, %max3A_43 : vector<4096x64xf32>
    %get3A_45 = arith.constant 0 : index
    %get3A_46 = arith.constant 0 : index
    %get3A_47 = vector.load %arg10[%get3A_45, %get3A_46] : memref<64x32xf32, #tpu.memory_space<vmem>>, vector<64x32xf32>
    %dot_general3A_48 = arith.constant dense<0.000000e+00> : vector<4096x32xf32>
    %dot_general3A_49 = tpu.matmul %max3A_44, %get3A_47, %dot_general3A_48 {dimension_numbers = #tpu.dot_dimension_numbers<[1], [0], [0], [1], [0, 0, 1, 1], [], []>, transpose_lhs_hint = false} : vector<4096x64xf32>, vector<64x32xf32>, vector<4096x32xf32> -> vector<4096x32xf32>
    %get3A_50 = arith.constant 0 : index
    %get3A_51 = arith.constant 0 : index
    %get3A_52 = vector.load %arg11[%get3A_50, %get3A_51] : memref<1x32xf32, #tpu.memory_space<vmem>>, vector<1x32xf32>
    %add3A_53 = vector.broadcast %get3A_52 : vector<1x32xf32> to vector<4096x32xf32>
    %add3A_54 = arith.addf %dot_general3A_49, %add3A_53 : vector<4096x32xf32>
    %max3A_55 = arith.constant 0.000000e+00 : f32
    %max3A_56 = vector.broadcast %max3A_55 : f32 to vector<4096x32xf32>
    %max3A_57 = arith.maximumf %add3A_54, %max3A_56 : vector<4096x32xf32>
    %mul3A = arith.mulf %max3A_22, %max3A_57 : vector<4096x32xf32>
    %reduce_sum3A = arith.constant dense<0.000000e+00> : vector<4096xf32>
    %reduce_sum3A_58 = vector.multi_reduction <add>, %mul3A, %reduce_sum3A [1] : vector<4096x32xf32> to vector<4096xf32>
    %broadcast_in_dim3A = vector.shape_cast %reduce_sum3A_58 : vector<4096xf32> to vector<4096x1xf32>
    %mul3A_59 = arith.mulf %max3A_22, %max3A_22 : vector<4096x32xf32>
    %reduce_sum3A_60 = arith.constant dense<0.000000e+00> : vector<4096xf32>
    %reduce_sum3A_61 = vector.multi_reduction <add>, %mul3A_59, %reduce_sum3A_60 [1] : vector<4096x32xf32> to vector<4096xf32>
    %broadcast_in_dim3A_62 = vector.shape_cast %reduce_sum3A_61 : vector<4096xf32> to vector<4096x1xf32>
    %mul3A_63 = arith.mulf %max3A_57, %max3A_57 : vector<4096x32xf32>
    %reduce_sum3A_64 = arith.constant dense<0.000000e+00> : vector<4096xf32>
    %reduce_sum3A_65 = vector.multi_reduction <add>, %mul3A_63, %reduce_sum3A_64 [1] : vector<4096x32xf32> to vector<4096xf32>
    %broadcast_in_dim3A_66 = vector.shape_cast %reduce_sum3A_65 : vector<4096xf32> to vector<4096x1xf32>
    %mul3A_67 = arith.mulf %broadcast_in_dim3A_62, %broadcast_in_dim3A_66 : vector<4096x1xf32>
    %sqrt3A = math.sqrt %mul3A_67 : vector<4096x1xf32>
    %div3A = arith.divf %broadcast_in_dim3A, %sqrt3A : vector<4096x1xf32>
    %swap3A = arith.constant 0 : index
    %swap3A_68 = arith.constant 0 : index
    %swap3A_69 = vector.load %arg12[%swap3A, %swap3A_68] : memref<4096x1xf32, #tpu.memory_space<vmem>>, vector<4096x1xf32>
    tpu.vector_store %arg12[%swap3A, %swap3A_68], %div3A {strides = array<i32>} : memref<4096x1xf32, #tpu.memory_space<vmem>>, vector<4096x1xf32>,
    return
  }
}

</mosaic_0001>

<sc_bundles>
// kernel: kernel.4.cloned.1.call-start
scs
__scs_entry_jumppad:
0x0: {  	(pc) =	sbr.rel $0x88, $3  }
0x1: {  	(tag) =	ssettag $0x0;
	lr =	simm.s32 $0x1  }
0x2: {  	[smem:$0x3F95] =	sst lr;
	_ =	strace $0xD0000000  }
0x3: {  	_ = 	snop  }
0x4: {  	_ = 	snop  }
0x5: {  	_ = 	snop  }
0x6: {  	_ = 	snop  }
0x7: {  	_ = 	snop  }
__scs_overlays_trampoline_lowered:
0x8: {  	[smem:$0x3FA4] =	sst s0  }
0x9: {  	[smem:$0x3FA5] =	sst s1  }
0xa: {  	[smem:$0x3FA6] =	sst s2  }
0xb: {  	[smem:$0x3FA7] =	sst s3  }
0xc: {  	[smem:$0x3FA8] =	sst s4  }
0xd: {  	[smem:$0x3FA9] =	sst s5  }
0xe: {  	[smem:$0x3FAA] =	sst s6  }
0xf: {  	[smem:$0x3FAB] =	sst s7  }
0x10: {  	[smem:$0x3FAC] =	sst s8  }
0x11: {  	[smem:$0x3FAD] =	sst s9;
	s0 =	simm.s32 @!p0 $0x0  }
0x12: {  	s1 =	sld [smem:$0x3F93];
	s0 =	simm.s32 @p0 $0x1  }
0x13: {  	[smem:$0x3FAE] =	sst s0;
	s0 =	simm.s32 @!p1 $0x0  }
0x14: {  	s2 =	sld [smem:$0x3F92];
	s0 =	simm.s32 @p1 $0x1  }
0x15: {  	[smem:$0x3FAF] =	sst s0;
	s0 =	simm.s32 @!p2 $0x0  }
0x16: {  	s3 =	sld [smem:$0x3FDB];
	s0 =	simm.s32 @p2 $0x1  }
0x17: {  	s4 =	simm.s32 $0x1BF5;
	[smem:$0x3FB1] =	sst s0  }
0x18: {  	s0 =	sld [smem:$0x3F94];
	_ =	swait.ge [sflag:s4], $0x0  }
0x19: {  	s7 =	sld [smem:$0x3F95]  }
0x1a: {  	s8 =	sadd.s32 $0xFFFFE003, lr  }
0x1b: {  	s9 =	sadd.s32 $0xFFFFFEF7, lr;
	s5 =	simm.s32 $0xFFFFFFFF;
	p2 =	slt.u32 s8, $0xFFFFF086  }
0x1c: {  	p1 =	slt.u32 s9, $0xF7A;
	s5 =	simm.s32 @!p2 $0x0  }
0x1d: {  	s5 =	simm.s32 @p1 $0x1;
	p0 =	seq.s32 s7, s2  }
0x1e: {  	s7 =	smul.u32 @!p0 $0xF7A, s2;
	p2 =	seq.s32 @!p0 s5, $0x0  }
0x1f: {  	s9 =	smul.u32 $0xF7A, s1;
	s8 =	simm.s32 @!p0 $0x1BF5;
	p2 =	por !p2, p0  }
0x20: {  	[sflag:s8] =	ssyncset.s32 @!p0 $0xFFFFF086;
	s6 =	sadd.s32 @!p0 s3, s7;
	s7 =	simm.s32 @!p0 $0x108  }
0x21: {  	s3 =	sadd.s32 s3, s9;
	s6 =	sadd.s32 @!p0 $0x88, s6;
	s7 =	simm.s32 @p2 $0x1082  }
0x22: {  	[simem:s7], [sflag:s8] =	dma.local @!p0 [hbm:s6], $0xF7A  }
0x23: {  	s9 =	sor.u32 $0xD0000000, s2;
	s6 =	simm.s32 $0x108;
	_ =	swait.ge @!p0 [sflag:s8], $0x0  }
0x24: {  	s3 =	sadd.s32 $0x88, s3;
	s6 =	simm.s32 @!p1 $0x1082;
	[sflag:s4] =	ssyncset.s32 $0xFFFFF086  }
0x25: {  	[simem:s6], [sflag:s4] =	dma.local [hbm:s3], $0xF7A  }
0x26: {  	[smem:$0x3F95] =	sst s1;
	(tag) =	ssettag s2;
	_ =	strace s9  }
0x27: {  	s1 =	sld [smem:$0x3FA5]  }
0x28: {  	s2 =	sld [smem:$0x3FA6]  }
0x29: {  	s4 =	sld [smem:$0x3FA8]  }
0x2a: {  	p0 =	seq.s32 s5, $0x0;
	s5 =	sld [smem:$0x3FA9]  }
0x2b: {  	s6 =	sld [smem:$0x3FAA]  }
0x2c: {  	s7 =	sld [smem:$0x3FAB]  }
0x2d: {  	s3 =	simm.s32 $0x108;
	s8 =	sld [smem:$0x3FAC]  }
0x2e: {  	s3 =	simm.s32 @!p0 $0x1082;
	s9 =	sld [smem:$0x3FAD]  }
0x2f: {  	lr =	sadd.s32 s0, s3;
	s0 =	sld [smem:$0x3FA4]  }
0x30: {  	s3 =	sld [smem:$0x3FA7]  }
0x31: {  	[smem:$0x3FB0] =	sst s10  }
0x32: {  	s10 =	sld [smem:$0x3FAE];
	_ =	sdelay $0x3  }
0x33: {  	p0 =	seq.s32 s10, $0x1;
	s10 =	sld [smem:$0x3FB0];
	_ =	sdelay $0x3  }
0x34: {  	[smem:$0x3FB0] =	sst s10  }
0x35: {  	s10 =	sld [smem:$0x3FAF];
	_ =	sdelay $0x3  }
0x36: {  	p1 =	seq.s32 s10, $0x1;
	s10 =	sld [smem:$0x3FB0];
	_ =	sdelay $0x3  }
0x37: {  	[smem:$0x3FB0] =	sst s10  }
0x38: {  	s10 =	sld [smem:$0x3FB1]  }
0x39: {  	_ = 	snop;
	(pc) =	sbr.ind lr, $3  }
0x3a: {  	_ = 	snop  }
0x3b: {  	_ = 	snop  }
0x3c: {  	p2 =	seq.s32 s10, $0x1;
	s10 =	sld [smem:$0x3FB0]  }
0x3d: {  	_ =	shalt  }
0x3e: {  	_ =	shalt  }
0x3f: {  	_ =	shalt  }
0x40: {  	_ =	shalt  }
0x41: {  	_ =	shalt  }
0x42: {  	_ =	shalt  }
0x43: {  	_ =	shalt  }
0x44: {  	_ =	shalt  }
0x45: {  	_ =	shalt  }
0x46: {  	_ =	shalt  }
0x47: {  	_ =	shalt  }
0x48: {  	_ =	shalt  }
0x49: {  	_ =	shalt  }
0x4a: {  	_ =	shalt  }
0x4b: {  	_ =	shalt  }
0x4c: {  	_ =	shalt  }
0x4d: {  	_ =	shalt  }
0x4e: {  	_ =	shalt  }
0x4f: {  	_ =	shalt  }
0x50: {  	_ =	shalt  }
0x51: {  	_ =	shalt  }
0x52: {  	_ =	shalt  }
0x53: {  	_ =	shalt  }
0x54: {  	_ =	shalt  }
0x55: {  	_ =	shalt  }
0x56: {  	_ =	shalt  }
0x57: {  	_ =	shalt  }
0x58: {  	_ =	shalt  }
0x59: {  	_ =	shalt  }
0x5a: {  	_ =	shalt  }
0x5b: {  	_ =	shalt  }
0x5c: {  	_ =	shalt  }
0x5d: {  	_ =	shalt  }
0x5e: {  	_ =	shalt  }
0x5f: {  	_ =	shalt  }
0x60: {  	_ =	shalt  }
0x61: {  	_ =	shalt  }
0x62: {  	_ =	shalt  }
0x63: {  	_ =	shalt  }
0x64: {  	_ =	shalt  }
0x65: {  	_ =	shalt  }
0x66: {  	_ =	shalt  }
0x67: {  	_ =	shalt  }
0x68: {  	_ =	shalt  }
0x69: {  	_ =	shalt  }
0x6a: {  	_ =	shalt  }
0x6b: {  	_ =	shalt  }
0x6c: {  	_ =	shalt  }
0x6d: {  	_ =	shalt  }
0x6e: {  	_ =	shalt  }
0x6f: {  	_ =	shalt  }
0x70: {  	_ =	shalt  }
0x71: {  	_ =	shalt  }
0x72: {  	_ =	shalt  }
0x73: {  	_ =	shalt  }
0x74: {  	_ =	shalt  }
0x75: {  	_ =	shalt  }
0x76: {  	_ =	shalt  }
0x77: {  	_ =	shalt  }
0x78: {  	_ =	shalt  }
0x79: {  	_ =	shalt  }
0x7a: {  	_ =	shalt  }
0x7b: {  	_ =	shalt  }
0x7c: {  	_ =	shalt  }
0x7d: {  	_ =	shalt  }
0x7e: {  	_ =	shalt  }
0x7f: {  	_ =	shalt  }
0x80: {  	_ =	shalt  }
0x81: {  	_ =	shalt  }
0x82: {  	_ =	shalt  }
0x83: {  	_ =	shalt  }
0x84: {  	_ =	shalt  }
0x85: {  	_ =	shalt  }
0x86: {  	_ =	shalt  }
0x87: {  	_ =	shalt  }
.Lfunc_end0:
.L_simem_size_0:
called_computation_lowered:
.L_overlay_start_0:
0x88: {  	s2 =	sld [smem:$0x3FD9]  }
0x89: {  	s3 =	sld [smem:$0x3FFE];
	_ =	sdelay $0x1  }
0x8a: {  	s1 =	srdreg.scid  }
0x8b: {  	s0 =	sand.u32 $0x1, s1  }
0x8c: {  	s16 =	sshll.u32 s0, $0xA;
	s2 =	sadd.s32 s3, s2  }
0x8d: {  	s2 =	sadd.s32 s2, s16  }
0x8e: {  	[smem:$0x3FBC] =	sst s2  }
0x8f: {  	_ = 	snop  }
0x90: {  	(tm) =	ssettm $0x1  }
0x91: {  	s17 =	sld [smem:$0x3FFB];
	_ =	sdelay $0x3  }
0x92: {  	_ =	strace s17  }
0x93: {  	s2 =	sld [smem:$0x3FFC];
	_ =	sdelay $0x3  }
0x94: {  	_ =	strace s2  }
0x95: {  	s2 =	sld [smem:$0x3FFD];
	_ =	sdelay $0x3  }
0x96: {  	_ =	strace s2  }
0x97: {  	_ =	strace $0x8FFFFFFF  }
0x98: {  	s18 =	sld [smem:$0x3FDB];
	_ =	sdelay $0x1  }
0x99: {  	s19 =	simm.s32 $_scs_section_size  }
0x9a: {  	s4 =	simm.s32 $_size__tile_overlayer_lowered;
	s5 =	simm.s32 $_tile_overlayer_lowered  }
0x9b: {  	s22 =	simm.s32 $0x1BFF;
	s21 =	sshll.u32 s5, $0x1;
	s2 =	sadd.s32 s19, s18  }
0x9c: {  	s6 =	simm.s32 $0x0;
	s20 =	sshll.u32 s4, $0x1;
	s4 =	sadd.s32 s21, s2  }
0x9d: {  	[timem:s6], [sflag:s22] =	dma.local [hbm:s4], s20  }
0x9e: {  	_ =	swait.ge [sflag:s22], s20  }
0x9f: {  	s3 =	ssub.s32 $0x0, s20;
	[sflag:s22] =	ssyncset.done $0x0  }
0xa0: {  	[sflag:s22] =	ssyncadd.s32 s3;
	_ =	sdelay $0x1  }
0xa1: {  	s23 =	simm.s32 $0x1B8B  }
0xa2: {  	_ =	swait.ge [sflag:s23], $0x1  }
0xa3: {  	[sflag:s23] =	ssyncset.done $0x0  }
0xa4: {  	s25 =	simm.s32 $0x1B8E;
	s24 =	sld [smem:$0x3FFE];
	[sflag:s23] =	ssyncadd.s32 $0xFFFFFFFF  }
0xa5: {  	s26 =	simm.s32 $execute0_lowered;
	[smem:$0x3FD2] =	sst s25  }
0xa6: {  	s4 =	sshll.u32 s26, $0x1;
	_ =	strace $0x80000046;
	[dreg:$0x1] =	wrdreg $0xFFFFFFFF  }
0xa7: {  	s28 =	simm.s32 $_size_execute0_lowered;
	s2 =	sadd.s32 s2, s4;
	[dreg:$0x0] =	wrdreg $0x0  }
0xa8: {  	s4 =	sshll.u32 s28, $0x1;
	[dreg:$0x2] =	wrdreg s2  }
0xa9: {  	[dreg:$0x3] =	wrdreg s4  }
0xaa: {  	[dreg:$0x4] =	wrdreg $0xC0  }
0xab: {  	_ =	task [dreg:s6], $0x5FFFF  }
0xac: {  	[dreg:$0x1] =	wrdreg $0xFFFFFFFF  }
0xad: {  	[dreg:$0x0] =	wrdreg $0x60  }
0xae: {  	[dreg:$0x2] =	wrdreg s24  }
0xaf: {  	[dreg:$0x3] =	wrdreg $0x9  }
0xb0: {  	_ =	task.clear_ibuf [dreg:s6], $0x4FFFF;
	_ =	strace $0x90000046  }
0xb1: {  	s29 =	simm.s32 $0x9;
	_ =	strace $0x80000048  }
0xb2: {  	_ =	swait.ge [sflag:s29], $0x1  }
0xb3: {  	[sflag:s29] =	ssyncadd.s32 $0xFFFFFFFF  }
0xb4: {  	_ =	strace $0x90000048  }
0xb5: {  	_ =	sfence  }
0xb6: {  	s30 =	sld [smem:$0x0];
	_ =	sdelay $0x2  }
0xb7: {  	s31 =	sshll.u32 s1, $0xD;
	s1 =	sshrl.u32 s1, $0x2  }
0xb8: {  	s3 =	sand.u32 $0x4000, s31;
	s1 =	sadd.s32 s1, s30  }
0xb9: {  	s0 =	sor.u32 s3, s0;
	s1 =	sshll.u32 s1, $0x11  }
0xba: {  	s0 =	sor.u32 s1, s0  }
0xbb: {  	s0 =	sadd.s32 $0x8F2B, s0  }
0xbc: {  	[sflag:s0] =	ssyncadd.remote.s32 $0x1  }
0xbd: {  	_ =	sfence.sel $0xFFFF  }
0xbe: {  	[dreg:$0x0] =	wrdreg $0xFFFFFFFF;
	(pc) =	sbr.abs _section_cstart, $3  }
0xbf: {  	[dreg:$0x1] =	wrdreg $0xFFFFFFFF  }
0xc0: {  	_ =	task.clear_ibuf [dreg:s6], $0x2FFFF;
	_ =	strace $0x9FFFFFFF  }
0xc1: {  	(tm) =	ssettm $0x7FFFFFFF  }
tec
execute0_lowered:
.L_overlay_start_1:
0x0: {  	(tag) =	ssettag $0x1  }
0x1: {  	s0 =	rddreg [dreg:$0x0]  }
0x2: {  	s1 =	srdreg.scid;
	s3 =	stileid.u32;
	s2 =	simm.s32 $0x0  }
0x3: {  	s7 =	simm.s32 $0x80;
	s9 =	simm.s32 $0x2;
	s8 =	simm.s32 $0x6A00  }
0x4: {  	s10 =	simm.s32 $0x680;
	s11 =	simm.s32 $0x7200;
	s12 =	simm.s32 $0x700  }
0x5: {  	s13 =	simm.s32 $0x7A00;
	s14 =	simm.s32 $0x780;
	s15 =	simm.s32 $0x8200  }
0x6: {  	s16 =	simm.s32 $0x800;
	s17 =	simm.s32 $0x8A00;
	s18 =	simm.s32 $0x880  }
0x7: {  	s19 =	simm.s32 $0x9200;
	s20 =	simm.s32 $0x900;
	s21 =	simm.s32 $0x9A00  }
0x8: {  	s22 =	simm.s32 $0x980;
	s23 =	simm.s32 $0xA200;
	s24 =	simm.s32 $0x1  }
0x9: {  	s25 =	simm.s32 $0xAA00;
	s26 =	simm.s32 $0x0;
	s1 =	sand.u32 $0x1, s1  }
0xa: {  	s3 =	sshll.u32 s3, $0x8;
	[smem:$0x7FF] =	sst s2;
	s4 =	sshll.u32 s1, $0x7  }
0xb: {  	_ =	strace $0x80000047;
	s1 =	ssub.s32 $0x2, s1;
	s3 =	sor.u32 s4, s3  }
0xc: {  	s31 =	sshrl.u32 s1, $0x1;
	s4 =	sshrl.u32 s3, $0x3;
	s5 =	sshll.u32 s3, $0x1  }
0xd: {  	s3 =	sadd.s32 $0x3A00, s0;
	s1 =	ssub.s32 s1, s31;
	s4 =	sadd.s32 s4, s0  }
0xe: {  	s0 =	sadd.s32 s5, s0;
	s6 =	smax.u32 s1, $0x1;
	s1 =	simm.s32 $0x600  }
0xf: {  	s4 =	sadd.s32 $0x1200, s4;
	s5 =	sadd.s32 $0x4200, s0;
	s0 =	simm.s32 $0x6200  }
.LBB2_1:
0x10: {  	s28 =	simm.s32 $0x1000  }
0x11: {  	[tilespmem:s2], [sflag:$0x2] =	stream.strided.gather [hbm4b:s4+s7], $0xA00, s28, s7, $0x38;
	[tilespmem:$0xB200] =	vst v63  }
0x12: {  	_ =	swait.ge [sflag:s9], $0xA00  }
0x13: {  	[sflag:s9] =	ssyncset.done $0x0  }
0x14: {  	s28 =	simm.s32 $0xA00;
	[sflag:s9] =	ssyncadd.s32 $0xFFFFF600  }
0x15: {  	[tilespmem:s28], [sflag:$0x1] =	stream.indirect.gather [hbm4b:s3+s7], $0x10, s2, s7, $0xb8;
	[tilespmem:$0xB200] =	vst v63  }
0x16: {  	s28 =	simm.s32 $0x1200  }
0x17: {  	[tilespmem:s28], [sflag:$0x1] =	stream.indirect.gather [hbm4b:s3+s7], $0x10, s7, s7, $0xb8;
	[tilespmem:$0xB200] =	vst v63  }
0x18: {  	s29 =	simm.s32 $0x1A00;
	s28 =	simm.s32 $0x100  }
0x19: {  	[tilespmem:s29], [sflag:$0x1] =	stream.indirect.gather [hbm4b:s3+s7], $0x10, s28, s7, $0xb8;
	[tilespmem:$0xB200] =	vst v63  }
0x1a: {  	s28 =	simm.s32 $0x180;
	s29 =	simm.s32 $0x2200  }
0x1b: {  	[tilespmem:s29], [sflag:$0x1] =	stream.indirect.gather [hbm4b:s3+s7], $0x10, s28, s7, $0xb8;
	[tilespmem:$0xB200] =	vst v63  }
0x1c: {  	s28 =	simm.s32 $0x200;
	s29 =	simm.s32 $0x2A00  }
0x1d: {  	[tilespmem:s29], [sflag:$0x1] =	stream.indirect.gather [hbm4b:s3+s7], $0x10, s28, s7, $0xb8;
	[tilespmem:$0xB200] =	vst v63  }
0x1e: {  	s28 =	simm.s32 $0x280;
	s29 =	simm.s32 $0x3200  }
0x1f: {  	[tilespmem:s29], [sflag:$0x1] =	stream.indirect.gather [hbm4b:s3+s7], $0x10, s28, s7, $0xb8;
	[tilespmem:$0xB200] =	vst v63  }
0x20: {  	s28 =	simm.s32 $0x300;
	s29 =	simm.s32 $0x3A00  }
0x21: {  	[tilespmem:s29], [sflag:$0x1] =	stream.indirect.gather [hbm4b:s3+s7], $0x10, s28, s7, $0xb8;
	[tilespmem:$0xB200] =	vst v63  }
0x22: {  	s28 =	simm.s32 $0x380;
	s29 =	simm.s32 $0x4200  }
0x23: {  	[tilespmem:s29], [sflag:$0x1] =	stream.indirect.gather [hbm4b:s3+s7], $0x10, s28, s7, $0xb8;
	[tilespmem:$0xB200] =	vst v63  }
0x24: {  	s28 =	simm.s32 $0x400;
	s29 =	simm.s32 $0x4A00  }
0x25: {  	[tilespmem:s29], [sflag:$0x1] =	stream.indirect.gather [hbm4b:s3+s7], $0x10, s28, s7, $0xb8;
	[tilespmem:$0xB200] =	vst v63  }
0x26: {  	s28 =	simm.s32 $0x480;
	s29 =	simm.s32 $0x5200  }
0x27: {  	[tilespmem:s29], [sflag:$0x1] =	stream.indirect.gather [hbm4b:s3+s7], $0x10, s28, s7, $0xb8;
	[tilespmem:$0xB200] =	vst v63  }
0x28: {  	s28 =	simm.s32 $0x500;
	s29 =	simm.s32 $0x5A00  }
0x29: {  	[tilespmem:s29], [sflag:$0x1] =	stream.indirect.gather [hbm4b:s3+s7], $0x10, s28, s7, $0xb8;
	[tilespmem:$0xB200] =	vst v63  }
0x2a: {  	s28 =	simm.s32 $0x580  }
0x2b: {  	[tilespmem:s0], [sflag:$0x1] =	stream.indirect.gather [hbm4b:s3+s7], $0x10, s28, s7, $0xb8;
	[tilespmem:$0xB200] =	vst v63  }
0x2c: {  	_ = 	snop  }
0x2d: {  	[tilespmem:s8], [sflag:$0x1] =	stream.indirect.gather [hbm4b:s3+s7], $0x10, s1, s7, $0xb8;
	[tilespmem:$0xB200] =	vst v63  }
0x2e: {  	_ = 	snop  }
0x2f: {  	[tilespmem:s11], [sflag:$0x1] =	stream.indirect.gather [hbm4b:s3+s7], $0x10, s10, s7, $0xb8;
	[tilespmem:$0xB200] =	vst v63  }
0x30: {  	_ = 	snop  }
0x31: {  	[tilespmem:s13], [sflag:$0x1] =	stream.indirect.gather [hbm4b:s3+s7], $0x10, s12, s7, $0xb8;
	[tilespmem:$0xB200] =	vst v63  }
0x32: {  	_ = 	snop  }
0x33: {  	[tilespmem:s15], [sflag:$0x1] =	stream.indirect.gather [hbm4b:s3+s7], $0x10, s14, s7, $0xb8;
	[tilespmem:$0xB200] =	vst v63  }
0x34: {  	_ = 	snop  }
0x35: {  	[tilespmem:s17], [sflag:$0x1] =	stream.indirect.gather [hbm4b:s3+s7], $0x10, s16, s7, $0xb8;
	[tilespmem:$0xB200] =	vst v63  }
0x36: {  	_ = 	snop  }
0x37: {  	[tilespmem:s19], [sflag:$0x1] =	stream.indirect.gather [hbm4b:s3+s7], $0x10, s18, s7, $0xb8;
	[tilespmem:$0xB200] =	vst v63  }
0x38: {  	_ = 	snop  }
0x39: {  	[tilespmem:s21], [sflag:$0x1] =	stream.indirect.gather [hbm4b:s3+s7], $0x10, s20, s7, $0xb8;
	[tilespmem:$0xB200] =	vst v63  }
0x3a: {  	_ = 	snop  }
0x3b: {  	[tilespmem:s23], [sflag:$0x1] =	stream.indirect.gather [hbm4b:s3+s7], $0x10, s22, s7, $0xb8;
	[tilespmem:$0xB200] =	vst v63  }
0x3c: {  	_ =	swait.ge [sflag:s24], $0x800  }
0x3d: {  	[sflag:s24] =	ssyncset.done $0x0  }
0x3e: {  	[sflag:s24] =	ssyncadd.s32 $0xFFFFF800  }
0x3f: {  	_ =	swait.ge [sflag:s24], $0x800  }
0x40: {  	[sflag:s24] =	ssyncset.done $0x0  }
0x41: {  	[sflag:s24] =	ssyncadd.s32 $0xFFFFF800  }
0x42: {  	_ =	swait.ge [sflag:s24], $0x800  }
0x43: {  	[sflag:s24] =	ssyncset.done $0x0  }
0x44: {  	[sflag:s24] =	ssyncadd.s32 $0xFFFFF800  }
0x45: {  	_ =	swait.ge [sflag:s24], $0x800  }
0x46: {  	[sflag:s24] =	ssyncset.done $0x0  }
0x47: {  	[sflag:s24] =	ssyncadd.s32 $0xFFFFF800  }
0x48: {  	_ =	swait.ge [sflag:s24], $0x800  }
0x49: {  	[sflag:s24] =	ssyncset.done $0x0  }
0x4a: {  	[sflag:s24] =	ssyncadd.s32 $0xFFFFF800  }
0x4b: {  	_ =	swait.ge [sflag:s24], $0x800  }
0x4c: {  	[sflag:s24] =	ssyncset.done $0x0  }
0x4d: {  	[sflag:s24] =	ssyncadd.s32 $0xFFFFF800  }
0x4e: {  	_ =	swait.ge [sflag:s24], $0x800  }
0x4f: {  	[sflag:s24] =	ssyncset.done $0x0  }
0x50: {  	[sflag:s24] =	ssyncadd.s32 $0xFFFFF800  }
0x51: {  	_ =	swait.ge [sflag:s24], $0x800  }
0x52: {  	[sflag:s24] =	ssyncset.done $0x0  }
0x53: {  	[sflag:s24] =	ssyncadd.s32 $0xFFFFF800  }
0x54: {  	_ =	swait.ge [sflag:s24], $0x800  }
0x55: {  	[sflag:s24] =	ssyncset.done $0x0  }
0x56: {  	[sflag:s24] =	ssyncadd.s32 $0xFFFFF800  }
0x57: {  	_ =	swait.ge [sflag:s24], $0x800  }
0x58: {  	[sflag:s24] =	ssyncset.done $0x0  }
0x59: {  	[sflag:s24] =	ssyncadd.s32 $0xFFFFF800  }
0x5a: {  	_ =	swait.ge [sflag:s24], $0x800  }
0x5b: {  	[sflag:s24] =	ssyncset.done $0x0  }
0x5c: {  	[sflag:s24] =	ssyncadd.s32 $0xFFFFF800  }
0x5d: {  	_ =	swait.ge [sflag:s24], $0x800  }
0x5e: {  	[sflag:s24] =	ssyncset.done $0x0  }
0x5f: {  	[sflag:s24] =	ssyncadd.s32 $0xFFFFF800  }
0x60: {  	_ =	swait.ge [sflag:s24], $0x800  }
0x61: {  	[sflag:s24] =	ssyncset.done $0x0  }
0x62: {  	[sflag:s24] =	ssyncadd.s32 $0xFFFFF800  }
0x63: {  	_ =	swait.ge [sflag:s24], $0x800  }
0x64: {  	[sflag:s24] =	ssyncset.done $0x0  }
0x65: {  	[sflag:s24] =	ssyncadd.s32 $0xFFFFF800  }
0x66: {  	_ =	swait.ge [sflag:s24], $0x800  }
0x67: {  	[sflag:s24] =	ssyncset.done $0x0  }
0x68: {  	[sflag:s24] =	ssyncadd.s32 $0xFFFFF800  }
0x69: {  	_ =	swait.ge [sflag:s24], $0x800  }
0x6a: {  	[sflag:s24] =	ssyncset.done $0x0  }
0x6b: {  	[sflag:s24] =	ssyncadd.s32 $0xFFFFF800  }
0x6c: {  	_ =	swait.ge [sflag:s24], $0x800  }
0x6d: {  	[sflag:s24] =	ssyncset.done $0x0  }
0x6e: {  	[sflag:s24] =	ssyncadd.s32 $0xFFFFF800  }
0x6f: {  	_ =	swait.ge [sflag:s24], $0x800  }
0x70: {  	[sflag:s24] =	ssyncset.done $0x0  }
0x71: {  	[sflag:s24] =	ssyncadd.s32 $0xFFFFF800  }
0x72: {  	_ =	swait.ge [sflag:s24], $0x800  }
0x73: {  	[sflag:s24] =	ssyncset.done $0x0  }
0x74: {  	[sflag:s24] =	ssyncadd.s32 $0xFFFFF800  }
0x75: {  	_ =	swait.ge [sflag:s24], $0x800  }
0x76: {  	[sflag:s24] =	ssyncset.done $0x0  }
0x77: {  	s29 =	simm.s32 $0x0;
	[sflag:s24] =	ssyncadd.s32 $0xFFFFF800  }
0x78: {  	v0 =	vld [tilespmem:s29+$0xA00]  }
0x79: {  	v1 =	vld [tilespmem:s29+$0x1200];
	_ =	sdelay $0x1  }
0x7a: {  	v2 =	vld [tilespmem:s29+$0x1A00];
	_ =	sdelay $0x1  }
0x7b: {  	v3 =	vld [tilespmem:s29+$0x2200]  }
0x7c: {  	v0 =	vadd.f32 v1, v0  }
0x7d: {  	v1 =	vld [tilespmem:s29+$0x2A00]  }
0x7e: {  	v0 =	vadd.f32 v2, v0  }
0x7f: {  	v2 =	vld [tilespmem:s29+$0x3200]  }
0x80: {  	v0 =	vadd.f32 v3, v0  }
0x81: {  	v3 =	vld [tilespmem:s29+$0x3A00]  }
0x82: {  	v0 =	vadd.f32 v1, v0  }
0x83: {  	v1 =	vld [tilespmem:s29+$0x4200]  }
0x84: {  	v0 =	vadd.f32 v2, v0  }
0x85: {  	v2 =	vld [tilespmem:s29+$0x4A00]  }
0x86: {  	v0 =	vadd.f32 v3, v0  }
0x87: {  	v3 =	vld [tilespmem:s29+$0x5200]  }
0x88: {  	s28 =	simm.s32 $0x10;
	v4 =	vld [tilespmem:s29+$0x5A00];
	v0 =	vadd.f32 v1, v0  }
0x89: {  	v5 =	vld [tilespmem:s28+$0xA00]  }
0x8a: {  	v1 =	vld [tilespmem:s29+$0x6200];
	v0 =	vadd.f32 v2, v0  }
0x8b: {  	v2 =	vld [tilespmem:s28+$0x1200]  }
0x8c: {  	v6 =	vld [tilespmem:s28+$0x1A00];
	v0 =	vadd.f32 v3, v0  }
0x8d: {  	v3 =	vld [tilespmem:s29+$0x6A00]  }
0x8e: {  	v7 =	vld [tilespmem:s28+$0x2200];
	v0 =	vadd.f32 v4, v0  }
0x8f: {  	v4 =	vld [tilespmem:s29+$0x7200]  }
0x90: {  	v2 =	vadd.f32 v2, v5;
	v5 =	vld [tilespmem:s28+$0x2A00];
	v0 =	vadd.f32 v1, v0  }
0x91: {  	v1 =	vld [tilespmem:s29+$0x7A00]  }
0x92: {  	v2 =	vadd.f32 v6, v2;
	v6 =	vld [tilespmem:s28+$0x3200];
	v0 =	vadd.f32 v3, v0  }
0x93: {  	v3 =	vld [tilespmem:s29+$0x8200]  }
0x94: {  	v2 =	vadd.f32 v7, v2;
	v7 =	vld [tilespmem:s28+$0x3A00];
	v0 =	vadd.f32 v4, v0  }
0x95: {  	v4 =	vld [tilespmem:s29+$0x8A00]  }
0x96: {  	v2 =	vadd.f32 v5, v2;
	v5 =	vld [tilespmem:s28+$0x4200];
	v0 =	vadd.f32 v1, v0  }
0x97: {  	v1 =	vld [tilespmem:s29+$0x9200]  }
0x98: {  	v8 =	vld [tilespmem:s28+$0x4A00];
	v2 =	vadd.f32 v6, v2;
	v0 =	vadd.f32 v3, v0  }
0x99: {  	v6 =	vld [tilespmem:s29+$0x9A00]  }
0x9a: {  	v3 =	vld [tilespmem:s28+$0x5200];
	v7 =	vadd.f32 v7, v2;
	v4 =	vadd.f32 v4, v0  }
0x9b: {  	v2 =	vld [tilespmem:s29+$0xA200]  }
0x9c: {  	v0 =	vld [tilespmem:s28+$0x6200];
	v5 =	vadd.f32 v5, v7;
	v7 =	vadd.f32 v1, v4  }
0x9d: {  	s30 =	simm.s32 $0x20;
	v4 =	vld [tilespmem:s28+$0x5A00]  }
0x9e: {  	s31 =	simm.s32 $0xC0;
	v1 =	vld [tilespmem:s30+$0xA00];
	v5 =	vadd.f32 v8, v5;
	v6 =	vadd.f32 v6, v7  }
.LBB2_2:
0x9f: {  	p0 =	sne.s32 s31, $0x1FC0;
	v7 =	vld [tilespmem:s30+$0x1200]  }
0xa0: {  	v3 =	vadd.f32 v3, v5;
	v5 =	vld [tilespmem:s28+$0x6A00];
	v2 =	vadd.f32 v2, v6  }
0xa1: {  	v6 =	vld [tilespmem:s30+$0x1A00]  }
0xa2: {  	v3 =	vadd.f32 v4, v3;
	v4 =	vld [tilespmem:s28+$0x7200];
	[tilespmem:s29+$0xAA00] =	vst v2;
	s29 =	smov.u32 s28;
	s28 =	smov.u32 s30  }
0xa3: {  	v2 =	vld [tilespmem:s28+$0x2200]  }
0xa4: {  	v1 =	vadd.f32 v7, v1;
	v0 =	vadd.f32 v0, v3;
	v3 =	vld [tilespmem:s29+$0x7A00]  }
0xa5: {  	v7 =	vld [tilespmem:s28+$0x2A00]  }
0xa6: {  	v1 =	vadd.f32 v6, v1;
	v0 =	vadd.f32 v5, v0;
	v5 =	vld [tilespmem:s29+$0x8200]  }
0xa7: {  	v6 =	vld [tilespmem:s28+$0x3200]  }
0xa8: {  	v1 =	vadd.f32 v2, v1;
	v0 =	vadd.f32 v4, v0;
	v2 =	vld [tilespmem:s29+$0x8A00]  }
0xa9: {  	v4 =	vld [tilespmem:s28+$0x3A00]  }
0xaa: {  	v1 =	vadd.f32 v7, v1;
	v0 =	vadd.f32 v3, v0;
	v7 =	vld [tilespmem:s29+$0x9200]  }
0xab: {  	v8 =	vld [tilespmem:s28+$0x4200]  }
0xac: {  	v1 =	vadd.f32 v6, v1;
	v0 =	vadd.f32 v5, v0;
	v6 =	vld [tilespmem:s29+$0x9A00]  }
0xad: {  	v5 =	vld [tilespmem:s28+$0x4A00]  }
.Ltmp0:
0xae: {  	v1 =	vadd.f32 v4, v1;
	v4 =	vadd.f32 v2, v0;
	v2 =	vld [tilespmem:s29+$0xA200];
	(pc) =	sbr.rel @p0 .LBB2_2-.Ltmp0, $4  }
0xaf: {  	v3 =	vld [tilespmem:s28+$0x5200]  }
0xb0: {  	v8 =	vadd.f32 v8, v1;
	v0 =	vld [tilespmem:s28+$0x6200];
	v7 =	vadd.f32 v7, v4  }
0xb1: {  	s30 =	sshra.s32 s31, $0x2;
	v4 =	vld [tilespmem:s28+$0x5A00]  }
0xb2: {  	s31 =	sadd.s32 $0x40, s31;
	v1 =	vld [tilespmem:s30+$0xA00];
	v5 =	vadd.f32 v5, v8;
	v6 =	vadd.f32 v6, v7  }
0xb3: {  	v7 =	vld [tilespmem:s30+$0x1200]  }
0xb4: {  	v8 =	vld [tilespmem:s28+$0x6A00];
	v2 =	vadd.f32 v2, v6  }
0xb5: {  	v40 =	vld [tilespmem:s30+$0x1A00]  }
0xb6: {  	v9 =	vld [tilespmem:s28+$0x7200];
	v3 =	vadd.f32 v3, v5;
	[tilespmem:s29+$0xAA00] =	vst v2  }
0xb7: {  	v2 =	vld [tilespmem:s30+$0x2200]  }
0xb8: {  	v3 =	vadd.f32 v4, v3;
	v1 =	vadd.f32 v7, v1  }
0xb9: {  	v41 =	vld [tilespmem:s30+$0x2A00]  }
0xba: {  	v42 =	vld [tilespmem:s28+$0x7A00];
	v0 =	vadd.f32 v0, v3;
	v1 =	vadd.f32 v40, v1  }
0xbb: {  	v43 =	vld [tilespmem:s30+$0x3200]  }
0xbc: {  	v44 =	vld [tilespmem:s28+$0x8200];
	v0 =	vadd.f32 v8, v0;
	v1 =	vadd.f32 v2, v1  }
0xbd: {  	v45 =	vld [tilespmem:s30+$0x3A00]  }
0xbe: {  	v46 =	vld [tilespmem:s28+$0x8A00];
	v0 =	vadd.f32 v9, v0;
	v1 =	vadd.f32 v41, v1  }
0xbf: {  	v47 =	vld [tilespmem:s30+$0x4200]  }
0xc0: {  	v48 =	vld [tilespmem:s28+$0x9200];
	v0 =	vadd.f32 v42, v0;
	v1 =	vadd.f32 v43, v1  }
0xc1: {  	v49 =	vld [tilespmem:s30+$0x4A00]  }
0xc2: {  	v50 =	vld [tilespmem:s28+$0x9A00];
	v0 =	vadd.f32 v44, v0;
	v1 =	vadd.f32 v45, v1  }
0xc3: {  	v51 =	vld [tilespmem:s30+$0x5200]  }
0xc4: {  	v52 =	vld [tilespmem:s28+$0xA200];
	v0 =	vadd.f32 v46, v0;
	v1 =	vadd.f32 v47, v1  }
0xc5: {  	v53 =	vld [tilespmem:s30+$0x5A00]  }
0xc6: {  	v0 =	vadd.f32 v48, v0;
	v1 =	vadd.f32 v49, v1  }
0xc7: {  	v54 =	vld [tilespmem:s30+$0x6200]  }
0xc8: {  	v0 =	vadd.f32 v50, v0;
	v1 =	vadd.f32 v51, v1  }
0xc9: {  	v55 =	vld [tilespmem:s30+$0x6A00]  }
0xca: {  	v0 =	vadd.f32 v52, v0;
	v1 =	vadd.f32 v53, v1  }
0xcb: {  	v56 =	vld [tilespmem:s30+$0x7200]  }
0xcc: {  	[tilespmem:s28+$0xAA00] =	vst v0;
	v57 =	vadd.f32 v54, v1  }
0xcd: {  	v58 =	vld [tilespmem:s30+$0x7A00]  }
0xce: {  	v0 =	vadd.f32 v55, v57  }
0xcf: {  	v59 =	vld [tilespmem:s30+$0x8200]  }
0xd0: {  	v0 =	vadd.f32 v56, v0  }
0xd1: {  	v60 =	vld [tilespmem:s30+$0x8A00]  }
0xd2: {  	v0 =	vadd.f32 v58, v0  }
0xd3: {  	v61 =	vld [tilespmem:s30+$0x9200]  }
0xd4: {  	v0 =	vadd.f32 v59, v0  }
0xd5: {  	v62 =	vld [tilespmem:s30+$0x9A00]  }
0xd6: {  	v0 =	vadd.f32 v60, v0  }
0xd7: {  	v63 =	vld [tilespmem:s30+$0xA200]  }
0xd8: {  	v0 =	vadd.f32 v61, v0;
	_ =	sdelay $0x1  }
0xd9: {  	v0 =	vadd.f32 v62, v0;
	_ =	sdelay $0x1  }
0xda: {  	s26 =	sadd.s32 $0x1, s26;
	v0 =	vadd.f32 v63, v0  }
0xdb: {  	p0 =	sne.s32 s26, s6  }
.Ltmp1:
0xdc: {  	[tilespmem:s30+$0xAA00] =	vst v0;
	(pc) =	sbr.rel @p0 .LBB2_1-.Ltmp1, $4  }
0xdd: {  	[hbm4b:s5+s2] =	stream.linear.scatter [tilespmem:s25], [sflag:$0x2], $0x800, $0x38;
	[tilespmem:$0xB200] =	vst v63  }
0xde: {  	_ =	swait.ge [sflag:s9], $0x800  }
0xdf: {  	[sflag:s9] =	ssyncset.done $0x0  }
0xe0: {  	[sflag:s9] =	ssyncadd.s32 $0xFFFFF800  }
0xe1: {  	_ =	sfence.sel $0x180000  }
0xe2: {  	[bflag:$0x0] =	sbarrier.arrive $0xFFFF  }
0xe3: {  	_ =	strace $0x90000047  }
0xe4: {  	s0 =	stileid.u32;
	[bflag:$0x2] =	sbarrier.arrive $0xFFFF  }
0xe5: {  	p0 =	sne.s32 s0, $0x0;
	s0 =	rddreg [dreg:$0x1]  }
0xe6: {  	s0 =	sadd.s32 @!p0 $0x100000, s0  }
0xe7: {  	[sflag:s0] =	ssyncadd.tile.s32 @!p0 $0x1;
	_ =	shalt  }
.Lfunc_end2:
_tile_overlayer_lowered:
.L_overlay_start_2:
0xe8: {  	(tag) =	ssettag $0x2  }
0xe9: {  	s0 =	rddreg [dreg:$0x0];
	s2 =	stileid.u32  }
0xea: {  	s1 =	rddreg [dreg:$0x1];
	p0 =	sne.s32 s2, $0x0  }
0xeb: {  	s3 =	rddreg [dreg:$0x2];
	[bflag:$0x3] =	sbarrier.arrive $0xFFFF;
	s2 =	simm.s32 @!p0 $0x1C02  }
0xec: {  	[timem:s3], [sflag:s2] =	dma.local @!p0 [hbm:s0], s1  }
0xed: {  	s0 =	simm.s32 @!p0 $0x2  }
0xee: {  	_ =	swait.ge @!p0 [sflag:s0], s1  }
0xef: {  	s1 =	ssub.s32 @!p0 $0x0, s1;
	[sflag:s0] =	ssyncset.done @!p0 $0x0  }
0xf0: {  	[sflag:s0] =	ssyncadd.s32 @!p0 s1  }
0xf1: {  	[bflag:$0x3] =	sbarrier.arrive $0xFFFF  }
0xf2: {  	_ =	shalt  }

</sc_bundles>
